<compile_context>
chip_gen: v7x
topology: tpu7x:2x2x1
jax: 0.10.2.dev20260603
libtpu: 0.0.44.dev20260713+nightly
codegen_flags: <defaults>
</compile_context>

<pallas_src>
import functools

import jax
import jax.numpy as jnp
from jax import lax
from jax.experimental import pallas as pl
from jax.experimental.pallas import tpu as pltpu
from jax.experimental.pallas import tpu_sc as plsc

N_NODES = 10000
N_EDGES = 320000
IN_CH = 128
HID = 32
OUT_CH = 16

NPAD = 10240
N_WORKERS = 32
CHUNK = 128
N_CHUNKS = 80
EPAD = N_WORKERS * N_CHUNKS * CHUNK
NBUF = 4
ROWS_PER_TILE = NPAD // 16
G_ROWS_PER_TILE = N_NODES // 16

_MESH = plsc.VectorSubcoreMesh(core_axis_name="c", subcore_axis_name="s")
_SC_PARAMS = pltpu.CompilerParams(use_tc_tiling_on_sc=False)



@functools.partial(
    pl.kernel,
    out_type=jax.ShapeDtypeStruct((2, NPAD), jnp.float32),
    mesh=_MESH,
    compiler_params=_SC_PARAMS,
    scratch_types=[
        pltpu.VMEM((N_CHUNKS, CHUNK), jnp.int32),
        pltpu.VMEM((CHUNK,), jnp.float32),
        pltpu.VMEM_SHARED((NPAD,), jnp.float32),
    ],
)
def _sc_degree(dst_hbm, zeros_hbm, out_hbm, dst_v, ones_v, acc_sh):
    cid = lax.axis_index("c")
    sid = lax.axis_index("s")
    wid = sid * 2 + cid
    base = sid * ROWS_PER_TILE
    pltpu.sync_copy(zeros_hbm.at[pl.ds(base, ROWS_PER_TILE)],
                    acc_sh.at[pl.ds(base, ROWS_PER_TILE)])
    pltpu.sync_copy(dst_hbm.at[wid], dst_v)
    for i in range(CHUNK // 16):
        ones_v[pl.ds(i * 16, 16)] = jnp.ones((16,), jnp.float32)
    plsc.subcore_barrier()

    @pl.loop(0, N_CHUNKS)
    def _(j):
        pltpu.sync_copy(ones_v, acc_sh.at[dst_v.at[j]], add=True)

    plsc.subcore_barrier()
    pltpu.sync_copy(acc_sh.at[pl.ds(base, ROWS_PER_TILE)],
                    out_hbm.at[cid, pl.ds(base, ROWS_PER_TILE)])


@functools.partial(
    pl.kernel,
    out_type=jax.ShapeDtypeStruct((2, NPAD, HID), jnp.float32),
    mesh=_MESH,
    compiler_params=_SC_PARAMS,
    scratch_types=[
        pltpu.VMEM((N_CHUNKS, CHUNK), jnp.int32),
        pltpu.VMEM((N_CHUNKS, CHUNK), jnp.int32),
        pltpu.VMEM((NBUF, CHUNK, HID), jnp.float32),
        pltpu.VMEM_SHARED((NPAD, HID), jnp.float32),
        pltpu.VMEM_SHARED((N_NODES, HID), jnp.float32),
    ] + [pltpu.SemaphoreType.DMA] * (2 * NBUF),
)
def _sc_aggregate(g_hbm, src_hbm, dst_hbm, zeros_hbm, out_hbm,
                  src_v, dst_v, rows_v, acc_sh, g_sh, *sems):
    gsem = sems[:NBUF]
    ssem = sems[NBUF:]
    cid = lax.axis_index("c")
    sid = lax.axis_index("s")
    wid = sid * 2 + cid
    base = sid * ROWS_PER_TILE
    gbase = sid * G_ROWS_PER_TILE
    pltpu.sync_copy(g_hbm.at[pl.ds(gbase, G_ROWS_PER_TILE)],
                    g_sh.at[pl.ds(gbase, G_ROWS_PER_TILE)])
    pltpu.sync_copy(zeros_hbm.at[pl.ds(base, ROWS_PER_TILE)],
                    acc_sh.at[pl.ds(base, ROWS_PER_TILE)])
    pltpu.sync_copy(src_hbm.at[wid], src_v)
    pltpu.sync_copy(dst_hbm.at[wid], dst_v)
    plsc.subcore_barrier()

    for b in range(NBUF):
        pltpu.async_copy(g_sh.at[src_v.at[b]], rows_v.at[b], gsem[b])

    @pl.loop(0, N_CHUNKS // NBUF)
    def _(r):
        c0 = r * NBUF
        for b in range(NBUF):
            pltpu.make_async_copy(g_sh.at[src_v.at[c0 + b]], rows_v.at[b],
                                  gsem[b]).wait()
            pltpu.async_copy(rows_v.at[b], acc_sh.at[dst_v.at[c0 + b]],
                             ssem[b], add=True)
        for b in range(NBUF):
            pltpu.make_async_copy(rows_v.at[b], acc_sh.at[dst_v.at[c0 + b]],
                                  ssem[b]).wait()

            @pl.when(c0 + b + NBUF < N_CHUNKS)
            def _(b=b, c0=c0):
                pltpu.async_copy(g_sh.at[src_v.at[c0 + b + NBUF]],
                                 rows_v.at[b], gsem[b])

    plsc.subcore_barrier()
    pltpu.sync_copy(acc_sh.at[pl.ds(base, ROWS_PER_TILE)],
                    out_hbm.at[cid, pl.ds(base, ROWS_PER_TILE)])



_BLK = 2000
_GRID = N_NODES // _BLK


def _dinv_of(degp_ref):
    blk = degp_ref[...]
    return lax.rsqrt(blk[0, :, 0] + blk[1, :, 0] + 1.0)


def _tc_prep_body(x_ref, w1_ref, degp_ref, g1_ref):
    t = jnp.dot(x_ref[...], w1_ref[...], preferred_element_type=jnp.float32)
    dinv = _dinv_of(degp_ref)
    g1_ref[...] = t * dinv[:, None]


def _tc_layer1_body(parts_ref, g1_ref, degp_ref, b1_ref, g2_ref):
    dinv = _dinv_of(degp_ref)
    parts = parts_ref[...]
    aggr = dinv[:, None] * (parts[0] + parts[1] + g1_ref[...])
    h = jnp.maximum(aggr + b1_ref[...], 0.0)
    g2_ref[...] = h * dinv[:, None]


def _tc_final_body(parts_ref, g2_ref, degp_ref, wmu_ref, bmu_ref,
                   wlv_ref, blv_ref, mu_ref, lv_ref):
    dinv = _dinv_of(degp_ref)
    parts = parts_ref[...]
    z = dinv[:, None] * (parts[0] + parts[1] + g2_ref[...])
    mu_ref[...] = jnp.dot(z, wmu_ref[...],
                          preferred_element_type=jnp.float32) + bmu_ref[...]
    lv_ref[...] = jnp.dot(z, wlv_ref[...],
                          preferred_element_type=jnp.float32) + blv_ref[...]


def _row_spec(width):
    return pl.BlockSpec((_BLK, width), lambda i: (i, 0))


def _full_spec(shape):
    return pl.BlockSpec(shape, lambda i: (0,) * len(shape))


_degp_spec = pl.BlockSpec((2, _BLK, 1), lambda i: (0, i, 0))
_parts_spec = pl.BlockSpec((2, _BLK, HID), lambda i: (0, i, 0))


def _tc_prep(x, W1, degp):
    return pl.pallas_call(
        _tc_prep_body,
        grid=(_GRID,),
        in_specs=[_row_spec(IN_CH), _full_spec((IN_CH, HID)), _degp_spec],
        out_specs=_row_spec(HID),
        out_shape=jax.ShapeDtypeStruct((N_NODES, HID), jnp.float32),
    )(x, W1, degp)


def _tc_layer1(parts, g1, degp, b1):
    return pl.pallas_call(
        _tc_layer1_body,
        grid=(_GRID,),
        in_specs=[_parts_spec, _row_spec(HID), _degp_spec,
                  _full_spec((1, HID))],
        out_specs=_row_spec(HID),
        out_shape=jax.ShapeDtypeStruct((N_NODES, HID), jnp.float32),
    )(parts, g1, degp, b1)


def _tc_final(parts, g2, degp, W_mu, b_mu, W_lv, b_lv):
    return pl.pallas_call(
        _tc_final_body,
        grid=(_GRID,),
        in_specs=[_parts_spec, _row_spec(HID), _degp_spec,
                  _full_spec((HID, OUT_CH)), _full_spec((1, OUT_CH)),
                  _full_spec((HID, OUT_CH)), _full_spec((1, OUT_CH))],
        out_specs=[_row_spec(OUT_CH), _row_spec(OUT_CH)],
        out_shape=[jax.ShapeDtypeStruct((N_NODES, OUT_CH), jnp.float32),
                   jax.ShapeDtypeStruct((N_NODES, OUT_CH), jnp.float32)],
    )(parts, g2, degp, W_mu, b_mu, W_lv, b_lv)



def kernel(x, edge_index, W1, b1, W_mu, b_mu, W_lv, b_lv):
    src = edge_index[0].astype(jnp.int32)
    dst = edge_index[1].astype(jnp.int32)
    npad_e = EPAD - N_EDGES
    src3 = jnp.concatenate(
        [src, jnp.zeros((npad_e,), jnp.int32)]).reshape(N_WORKERS, N_CHUNKS, CHUNK)
    dst3 = jnp.concatenate(
        [dst, jnp.full((npad_e,), N_NODES, jnp.int32)]).reshape(N_WORKERS, N_CHUNKS, CHUNK)
    z1 = jnp.zeros((NPAD,), jnp.float32)
    z2 = jnp.zeros((NPAD, HID), jnp.float32)

    degp = _sc_degree(dst3, z1).reshape(2, NPAD, 1)
    g1 = _tc_prep(x, W1, degp)
    parts1 = _sc_aggregate(g1, src3, dst3, z2)
    g2 = _tc_layer1(parts1, g1, degp, b1.reshape(1, HID))
    parts2 = _sc_aggregate(g2, src3, dst3, z2)
    mu, lv = _tc_final(parts2, g2, degp, W_mu, b_mu.reshape(1, OUT_CH),
                       W_lv, b_lv.reshape(1, OUT_CH))
    return (mu, lv)

# --- scband reference (transcript-rebuilt; emitter-appended) ---
"""Pipeline reference for scband-vgae-encoder-45904610460272 (READ-ONLY COPY).

The authoritative reference and input builder live on the scoring server;
editing this copy changes nothing except your own understanding.
"""

import jax, jax.numpy as jnp
import numpy as np

N_NODES = 10000
N_EDGES = 320000
IN_CH = 128
HID = 32
OUT_CH = 16


def gcn_conv(x, src, dst, W, b, n_nodes):
    # x' = A_hat (x W) + b, A_hat = D^-1/2 (A + I) D^-1/2
    h = x @ W
    loop = jnp.arange(n_nodes, dtype=src.dtype)
    s = jnp.concatenate([src, loop])
    d = jnp.concatenate([dst, loop])
    deg = jax.ops.segment_sum(jnp.ones_like(s, dtype=h.dtype), d, num_segments=n_nodes)
    dinv = jnp.where(deg > 0, deg ** -0.5, 0.0)
    norm = dinv[s] * dinv[d]
    msg = h[s] * norm[:, None]
    out = jax.ops.segment_sum(msg, d, num_segments=n_nodes)
    return out + b


def setup_inputs(seed: int = 0) -> dict:
    key = jax.random.key(seed)
    ks = jax.random.split(key, 8)
    x = jax.random.normal(ks[0], (N_NODES, IN_CH), dtype=jnp.float32)
    edge_index = jax.random.randint(ks[1], (2, N_EDGES), 0, N_NODES, dtype=jnp.int64)
    W1 = jax.random.normal(ks[2], (IN_CH, HID), dtype=jnp.float32) * 0.05
    b1 = jnp.zeros((HID,), dtype=jnp.float32)
    W_mu = jax.random.normal(ks[3], (HID, OUT_CH), dtype=jnp.float32) * 0.05
    b_mu = jnp.zeros((OUT_CH,), dtype=jnp.float32)
    W_lv = jax.random.normal(ks[4], (HID, OUT_CH), dtype=jnp.float32) * 0.05
    b_lv = jnp.zeros((OUT_CH,), dtype=jnp.float32)
    return {"x": x, "edge_index": edge_index, "W1": W1, "b1": b1,
            "W_mu": W_mu, "b_mu": b_mu, "W_lv": W_lv, "b_lv": b_lv}


def reference(x, edge_index, W1, b1, W_mu, b_mu, W_lv, b_lv):
    src = edge_index[0]
    dst = edge_index[1]
    h = jax.nn.relu(gcn_conv(x, src, dst, W1, b1, N_NODES))
    mu = gcn_conv(h, src, dst, W_mu, b_mu, N_NODES)
    logvar = gcn_conv(h, src, dst, W_lv, b_lv, N_NODES)
    return (mu, logvar)

if __name__ == "__main__":
    import jax
    _d = setup_inputs()
    print(jax.jit(kernel)(*tuple(_d.values())))

</pallas_src>

<mosaic_0001>
#map = affine_map<(d0, d1) -> (0, 0, 0)>
#map1 = affine_map<(d0, d1) -> (0)>
#map2 = affine_map<(d0, d1) -> (0, 0)>
module attributes {stable_mosaic.version = 14 : i64} {
  func.func @_sc_degree(%arg0: i32, %arg1: i32, %arg2: memref<32x80x128xi32, #tpu.memory_space<hbm>>, %arg3: memref<10240xf32, #tpu.memory_space<hbm>>, %arg4: memref<2x10240xf32, #tpu.memory_space<hbm>>, %arg5: memref<80x128xi32, #tpu.memory_space<vmem>>, %arg6: memref<128xf32, #tpu.memory_space<vmem>>, %arg7: memref<10240xf32, #tpu.memory_space<vmem_shared>>) attributes {dimension_semantics = [#tpu.dimension_semantics<core_parallel>, #tpu.dimension_semantics<subcore_parallel>], iteration_bounds = array<i64: 2, 16>, scalar_prefetch = 0 : i64, scratch_operands = 3 : i64, tpu.core_type = #tpu.core_type<sc_vector_subcore>, window_params = [{transform_indices = #map}, {transform_indices = #map1}, {transform_indices = #map2}]} {
    %mul3A = arith.constant 2 : i32
    %mul3A_0 = arith.muli %arg1, %mul3A : i32
    %add3A = arith.addi %mul3A_0, %arg0 : i32
    %mul3A_1 = arith.constant 640 : i32
    %mul3A_2 = arith.muli %arg1, %mul3A_1 : i32
    "tpu.region"() ({
      %run_scoped3A = tpu.sem_alloc : memref<!tpu.dma_semaphore, #tpu.memory_space<semaphore_mem>>
      %dma_start3A = tpu.memref_slice %arg7[%mul3A_2] : memref<10240xf32, #tpu.memory_space<vmem_shared>> -> memref<640xf32, #tpu.memory_space<vmem_shared>>
      %dma_start3A_54 = tpu.memref_slice %arg3[%mul3A_2] : memref<10240xf32, #tpu.memory_space<hbm>> -> memref<640xf32, #tpu.memory_space<hbm>>
      tpu.enqueue_dma source(%dma_start3A_54 : memref<640xf32, #tpu.memory_space<hbm>>) target(%dma_start3A : memref<640xf32, #tpu.memory_space<vmem_shared>>) target_semaphore(%run_scoped3A : memref<!tpu.dma_semaphore, #tpu.memory_space<semaphore_mem>>)
      %dma_wait3A = tpu.memref_slice %arg7[%mul3A_2] : memref<10240xf32, #tpu.memory_space<vmem_shared>> -> memref<640xf32, #tpu.memory_space<vmem_shared>>
      %dma_wait3A_55 = tpu.memref_slice %arg3[%mul3A_2] : memref<10240xf32, #tpu.memory_space<hbm>> -> memref<640xf32, #tpu.memory_space<hbm>>
      tpu.wait_dma2 semaphore(%run_scoped3A : memref<!tpu.dma_semaphore, #tpu.memory_space<semaphore_mem>>) src(%dma_wait3A_55 : memref<640xf32, #tpu.memory_space<hbm>>) dst(%dma_wait3A : memref<640xf32, #tpu.memory_space<vmem_shared>>)
      tpu.yield
    }) : () -> ()
    "tpu.region"() ({
      %run_scoped3A = tpu.sem_alloc : memref<!tpu.dma_semaphore, #tpu.memory_space<semaphore_mem>>
      %dma_start3A = arith.constant 0 : i32
      %dma_start3A_54 = arith.constant 0 : i32
      %dma_start3A_55 = tpu.memref_slice %arg2[%add3A, %dma_start3A, %dma_start3A_54] : memref<32x80x128xi32, #tpu.memory_space<hbm>> -> memref<1x80x128xi32, #tpu.memory_space<hbm>>
      %dma_start3A_56 = tpu.memref_squeeze %dma_start3A_55 : memref<1x80x128xi32, #tpu.memory_space<hbm>> -> memref<80x128xi32, #tpu.memory_space<hbm>>
      %dma_start3A_57 = arith.constant 0 : i32
      %dma_start3A_58 = arith.constant 0 : i32
      %dma_start3A_59 = tpu.memref_slice %arg2[%add3A, %dma_start3A_57, %dma_start3A_58] : memref<32x80x128xi32, #tpu.memory_space<hbm>> -> memref<1x80x128xi32, #tpu.memory_space<hbm>>
      %dma_start3A_60 = tpu.memref_squeeze %dma_start3A_59 : memref<1x80x128xi32, #tpu.memory_space<hbm>> -> memref<80x128xi32, #tpu.memory_space<hbm>>
      tpu.enqueue_dma source(%dma_start3A_60 : memref<80x128xi32, #tpu.memory_space<hbm>>) target(%arg5 : memref<80x128xi32, #tpu.memory_space<vmem>>) target_semaphore(%run_scoped3A : memref<!tpu.dma_semaphore, #tpu.memory_space<semaphore_mem>>)
      %dma_wait3A = arith.constant 0 : i32
      %dma_wait3A_61 = arith.constant 0 : i32
      %dma_wait3A_62 = tpu.memref_slice %arg2[%add3A, %dma_wait3A, %dma_wait3A_61] : memref<32x80x128xi32, #tpu.memory_space<hbm>> -> memref<1x80x128xi32, #tpu.memory_space<hbm>>
      %dma_wait3A_63 = tpu.memref_squeeze %dma_wait3A_62 : memref<1x80x128xi32, #tpu.memory_space<hbm>> -> memref<80x128xi32, #tpu.memory_space<hbm>>
      %dma_wait3A_64 = arith.constant 0 : i32
      %dma_wait3A_65 = arith.constant 0 : i32
      %dma_wait3A_66 = tpu.memref_slice %arg2[%add3A, %dma_wait3A_64, %dma_wait3A_65] : memref<32x80x128xi32, #tpu.memory_space<hbm>> -> memref<1x80x128xi32, #tpu.memory_space<hbm>>
      %dma_wait3A_67 = tpu.memref_squeeze %dma_wait3A_66 : memref<1x80x128xi32, #tpu.memory_space<hbm>> -> memref<80x128xi32, #tpu.memory_space<hbm>>
      tpu.wait_dma2 semaphore(%run_scoped3A : memref<!tpu.dma_semaphore, #tpu.memory_space<semaphore_mem>>) src(%dma_wait3A_67 : memref<80x128xi32, #tpu.memory_space<hbm>>) dst(%arg5 : memref<80x128xi32, #tpu.memory_space<vmem>>)
      tpu.yield
    }) : () -> ()
    %broadcast_in_dim3A = arith.constant 1.000000e+00 : f32
    %broadcast_in_dim3A_3 = vector.broadcast %broadcast_in_dim3A : f32 to vector<16xf32>
    %swap3A = arith.constant 0 : index
    %swap3A_4 = tpu.vector_load %arg6[%swap3A] {strides = array<i32>} : memref<128xf32, #tpu.memory_space<vmem>>, vector<16xf32>,
    %swap3A_5 = vector.shape_cast %swap3A_4 : vector<16xf32> to vector<16xf32>
    %swap3A_6 = vector.shape_cast %broadcast_in_dim3A_3 : vector<16xf32> to vector<16xf32>
    tpu.vector_store %arg6[%swap3A], %swap3A_6 {strides = array<i32>} : memref<128xf32, #tpu.memory_space<vmem>>, vector<16xf32>,
    %broadcast_in_dim3A_7 = arith.constant 1.000000e+00 : f32
    %broadcast_in_dim3A_8 = vector.broadcast %broadcast_in_dim3A_7 : f32 to vector<16xf32>
    %swap3A_9 = arith.constant 16 : index
    %swap3A_10 = tpu.vector_load %arg6[%swap3A_9] {strides = array<i32>} : memref<128xf32, #tpu.memory_space<vmem>>, vector<16xf32>,
    %swap3A_11 = vector.shape_cast %swap3A_10 : vector<16xf32> to vector<16xf32>
    %swap3A_12 = vector.shape_cast %broadcast_in_dim3A_8 : vector<16xf32> to vector<16xf32>
    tpu.vector_store %arg6[%swap3A_9], %swap3A_12 {strides = array<i32>} : memref<128xf32, #tpu.memory_space<vmem>>, vector<16xf32>,
    %broadcast_in_dim3A_13 = arith.constant 1.000000e+00 : f32
    %broadcast_in_dim3A_14 = vector.broadcast %broadcast_in_dim3A_13 : f32 to vector<16xf32>
    %swap3A_15 = arith.constant 32 : index
    %swap3A_16 = tpu.vector_load %arg6[%swap3A_15] {strides = array<i32>} : memref<128xf32, #tpu.memory_space<vmem>>, vector<16xf32>,
    %swap3A_17 = vector.shape_cast %swap3A_16 : vector<16xf32> to vector<16xf32>
    %swap3A_18 = vector.shape_cast %broadcast_in_dim3A_14 : vector<16xf32> to vector<16xf32>
    tpu.vector_store %arg6[%swap3A_15], %swap3A_18 {strides = array<i32>} : memref<128xf32, #tpu.memory_space<vmem>>, vector<16xf32>,
    %broadcast_in_dim3A_19 = arith.constant 1.000000e+00 : f32
    %broadcast_in_dim3A_20 = vector.broadcast %broadcast_in_dim3A_19 : f32 to vector<16xf32>
    %swap3A_21 = arith.constant 48 : index
    %swap3A_22 = tpu.vector_load %arg6[%swap3A_21] {strides = array<i32>} : memref<128xf32, #tpu.memory_space<vmem>>, vector<16xf32>,
    %swap3A_23 = vector.shape_cast %swap3A_22 : vector<16xf32> to vector<16xf32>
    %swap3A_24 = vector.shape_cast %broadcast_in_dim3A_20 : vector<16xf32> to vector<16xf32>
    tpu.vector_store %arg6[%swap3A_21], %swap3A_24 {strides = array<i32>} : memref<128xf32, #tpu.memory_space<vmem>>, vector<16xf32>,
    %broadcast_in_dim3A_25 = arith.constant 1.000000e+00 : f32
    %broadcast_in_dim3A_26 = vector.broadcast %broadcast_in_dim3A_25 : f32 to vector<16xf32>
    %swap3A_27 = arith.constant 64 : index
    %swap3A_28 = tpu.vector_load %arg6[%swap3A_27] {strides = array<i32>} : memref<128xf32, #tpu.memory_space<vmem>>, vector<16xf32>,
    %swap3A_29 = vector.shape_cast %swap3A_28 : vector<16xf32> to vector<16xf32>
    %swap3A_30 = vector.shape_cast %broadcast_in_dim3A_26 : vector<16xf32> to vector<16xf32>
    tpu.vector_store %arg6[%swap3A_27], %swap3A_30 {strides = array<i32>} : memref<128xf32, #tpu.memory_space<vmem>>, vector<16xf32>,
    %broadcast_in_dim3A_31 = arith.constant 1.000000e+00 : f32
    %broadcast_in_dim3A_32 = vector.broadcast %broadcast_in_dim3A_31 : f32 to vector<16xf32>
    %swap3A_33 = arith.constant 80 : index
    %swap3A_34 = tpu.vector_load %arg6[%swap3A_33] {strides = array<i32>} : memref<128xf32, #tpu.memory_space<vmem>>, vector<16xf32>,
    %swap3A_35 = vector.shape_cast %swap3A_34 : vector<16xf32> to vector<16xf32>
    %swap3A_36 = vector.shape_cast %broadcast_in_dim3A_32 : vector<16xf32> to vector<16xf32>
    tpu.vector_store %arg6[%swap3A_33], %swap3A_36 {strides = array<i32>} : memref<128xf32, #tpu.memory_space<vmem>>, vector<16xf32>,
    %broadcast_in_dim3A_37 = arith.constant 1.000000e+00 : f32
    %broadcast_in_dim3A_38 = vector.broadcast %broadcast_in_dim3A_37 : f32 to vector<16xf32>
    %swap3A_39 = arith.constant 96 : index
    %swap3A_40 = tpu.vector_load %arg6[%swap3A_39] {strides = array<i32>} : memref<128xf32, #tpu.memory_space<vmem>>, vector<16xf32>,
    %swap3A_41 = vector.shape_cast %swap3A_40 : vector<16xf32> to vector<16xf32>
    %swap3A_42 = vector.shape_cast %broadcast_in_dim3A_38 : vector<16xf32> to vector<16xf32>
    tpu.vector_store %arg6[%swap3A_39], %swap3A_42 {strides = array<i32>} : memref<128xf32, #tpu.memory_space<vmem>>, vector<16xf32>,
    %broadcast_in_dim3A_43 = arith.constant 1.000000e+00 : f32
    %broadcast_in_dim3A_44 = vector.broadcast %broadcast_in_dim3A_43 : f32 to vector<16xf32>
    %swap3A_45 = arith.constant 112 : index
    %swap3A_46 = tpu.vector_load %arg6[%swap3A_45] {strides = array<i32>} : memref<128xf32, #tpu.memory_space<vmem>>, vector<16xf32>,
    %swap3A_47 = vector.shape_cast %swap3A_46 : vector<16xf32> to vector<16xf32>
    %swap3A_48 = vector.shape_cast %broadcast_in_dim3A_44 : vector<16xf32> to vector<16xf32>
    tpu.vector_store %arg6[%swap3A_45], %swap3A_48 {strides = array<i32>} : memref<128xf32, #tpu.memory_space<vmem>>, vector<16xf32>,
    %barrier3A = arith.constant 0 : index
    tpu.barrier barrier_id(%barrier3A)
    %scan3A = arith.constant 0 : i32
    %scan3A_49 = arith.constant 80 : i32
    %scan3A_50 = arith.addi %scan3A, %scan3A_49 : i32
    %scan3A_51 = arith.constant 1 : i32
    scf.for %scan3A_54 = %scan3A to %scan3A_50 step %scan3A_51  : i32 {
      %mul3A_55 = arith.constant 1 : i32
      %mul3A_56 = arith.muli %scan3A_54, %mul3A_55 : i32
      %add3A_57 = arith.constant 0 : i32
      %add3A_58 = arith.addi %add3A_57, %mul3A_56 : i32
      "tpu.region"() ({
        %run_scoped3A = tpu.sem_alloc : memref<!tpu.dma_semaphore, #tpu.memory_space<semaphore_mem>>
        %dma_start3A = arith.constant 0 : i32
        %dma_start3A_59 = tpu.memref_slice %arg5[%add3A_58, %dma_start3A] : memref<80x128xi32, #tpu.memory_space<vmem>> -> memref<1x128xi32, #tpu.memory_space<vmem>>
        %dma_start3A_60 = tpu.memref_squeeze %dma_start3A_59 : memref<1x128xi32, #tpu.memory_space<vmem>> -> memref<128xi32, #tpu.memory_space<vmem>>
        %dma_start3A_61 = arith.constant 0 : i32
        %dma_start3A_62 = tpu.memref_slice %arg7[%dma_start3A_61] : memref<10240xf32, #tpu.memory_space<vmem_shared>> -> memref<10240xf32, #tpu.memory_space<vmem_shared>>
        tpu.enqueue_indirect_dma source(%arg6 : memref<128xf32, #tpu.memory_space<vmem>>) target(%dma_start3A_62 : memref<10240xf32, #tpu.memory_space<vmem_shared>>) offsets(%dma_start3A_60 : memref<128xi32, #tpu.memory_space<vmem>>) semaphore(%run_scoped3A : memref<!tpu.dma_semaphore, #tpu.memory_space<semaphore_mem>>) {add = true}
        %dma_wait3A = arith.constant 0 : i32
        %dma_wait3A_63 = tpu.memref_slice %arg5[%add3A_58, %dma_wait3A] : memref<80x128xi32, #tpu.memory_space<vmem>> -> memref<1x128xi32, #tpu.memory_space<vmem>>
        %dma_wait3A_64 = tpu.memref_squeeze %dma_wait3A_63 : memref<1x128xi32, #tpu.memory_space<vmem>> -> memref<128xi32, #tpu.memory_space<vmem>>
        %dma_wait3A_65 = arith.constant 0 : i32
        %dma_wait3A_66 = tpu.memref_slice %arg7[%dma_wait3A_65] : memref<10240xf32, #tpu.memory_space<vmem_shared>> -> memref<10240xf32, #tpu.memory_space<vmem_shared>>
        tpu.wait_indirect_dma semaphore(%run_scoped3A : memref<!tpu.dma_semaphore, #tpu.memory_space<semaphore_mem>>) src(%arg6 : memref<128xf32, #tpu.memory_space<vmem>>) dst(%dma_wait3A_66 : memref<10240xf32, #tpu.memory_space<vmem_shared>>)
        tpu.yield
      }) : () -> ()
    }
    %scan3A_52 = arith.constant 80 : i32
    %barrier3A_53 = arith.constant 0 : index
    tpu.barrier barrier_id(%barrier3A_53)
    "tpu.region"() ({
      %run_scoped3A = tpu.sem_alloc : memref<!tpu.dma_semaphore, #tpu.memory_space<semaphore_mem>>
      %dma_start3A = tpu.memref_slice %arg4[%arg0, %mul3A_2] : memref<2x10240xf32, #tpu.memory_space<hbm>> -> memref<1x640xf32, #tpu.memory_space<hbm>>
      %dma_start3A_54 = tpu.memref_squeeze %dma_start3A : memref<1x640xf32, #tpu.memory_space<hbm>> -> memref<640xf32, #tpu.memory_space<hbm>>
      %dma_start3A_55 = tpu.memref_slice %arg7[%mul3A_2] : memref<10240xf32, #tpu.memory_space<vmem_shared>> -> memref<640xf32, #tpu.memory_space<vmem_shared>>
      tpu.enqueue_dma source(%dma_start3A_55 : memref<640xf32, #tpu.memory_space<vmem_shared>>) target(%dma_start3A_54 : memref<640xf32, #tpu.memory_space<hbm>>) target_semaphore(%run_scoped3A : memref<!tpu.dma_semaphore, #tpu.memory_space<semaphore_mem>>)
      %dma_wait3A = tpu.memref_slice %arg4[%arg0, %mul3A_2] : memref<2x10240xf32, #tpu.memory_space<hbm>> -> memref<1x640xf32, #tpu.memory_space<hbm>>
      %dma_wait3A_56 = tpu.memref_squeeze %dma_wait3A : memref<1x640xf32, #tpu.memory_space<hbm>> -> memref<640xf32, #tpu.memory_space<hbm>>
      %dma_wait3A_57 = tpu.memref_slice %arg7[%mul3A_2] : memref<10240xf32, #tpu.memory_space<vmem_shared>> -> memref<640xf32, #tpu.memory_space<vmem_shared>>
      tpu.wait_dma2 semaphore(%run_scoped3A : memref<!tpu.dma_semaphore, #tpu.memory_space<semaphore_mem>>) src(%dma_wait3A_57 : memref<640xf32, #tpu.memory_space<vmem_shared>>) dst(%dma_wait3A_56 : memref<640xf32, #tpu.memory_space<hbm>>)
      tpu.yield
    }) : () -> ()
    return
  }
}

#map = affine_map<(d0, d1) -> (0, 0)>
#map1 = affine_map<(d0, d1) -> (0, 0, 0)>
module attributes {stable_mosaic.version = 14 : i64} {
  func.func @_sc_aggregate(%arg0: i32, %arg1: i32, %arg2: memref<10000x32xf32, #tpu.memory_space<hbm>>, %arg3: memref<32x80x128xi32, #tpu.memory_space<hbm>>, %arg4: memref<32x80x128xi32, #tpu.memory_space<hbm>>, %arg5: memref<10240x32xf32, #tpu.memory_space<hbm>>, %arg6: memref<2x10240x32xf32, #tpu.memory_space<hbm>>, %arg7: memref<80x128xi32, #tpu.memory_space<vmem>>, %arg8: memref<80x128xi32, #tpu.memory_space<vmem>>, %arg9: memref<4x128x32xf32, #tpu.memory_space<vmem>>, %arg10: memref<10240x32xf32, #tpu.memory_space<vmem_shared>>, %arg11: memref<10000x32xf32, #tpu.memory_space<vmem_shared>>, %arg12: memref<!tpu.dma_semaphore, #tpu.memory_space<semaphore_mem>>, %arg13: memref<!tpu.dma_semaphore, #tpu.memory_space<semaphore_mem>>, %arg14: memref<!tpu.dma_semaphore, #tpu.memory_space<semaphore_mem>>, %arg15: memref<!tpu.dma_semaphore, #tpu.memory_space<semaphore_mem>>, %arg16: memref<!tpu.dma_semaphore, #tpu.memory_space<semaphore_mem>>, %arg17: memref<!tpu.dma_semaphore, #tpu.memory_space<semaphore_mem>>, %arg18: memref<!tpu.dma_semaphore, #tpu.memory_space<semaphore_mem>>, %arg19: memref<!tpu.dma_semaphore, #tpu.memory_space<semaphore_mem>>) attributes {dimension_semantics = [#tpu.dimension_semantics<core_parallel>, #tpu.dimension_semantics<subcore_parallel>], iteration_bounds = array<i64: 2, 16>, scalar_prefetch = 0 : i64, scratch_operands = 13 : i64, tpu.core_type = #tpu.core_type<sc_vector_subcore>, window_params = [{transform_indices = #map}, {transform_indices = #map1}, {transform_indices = #map1}, {transform_indices = #map}, {transform_indices = #map1}]} {
    %mul3A = arith.constant 2 : i32
    %mul3A_0 = arith.muli %arg1, %mul3A : i32
    %add3A = arith.addi %mul3A_0, %arg0 : i32
    %mul3A_1 = arith.constant 640 : i32
    %mul3A_2 = arith.muli %arg1, %mul3A_1 : i32
    %mul3A_3 = arith.constant 625 : i32
    %mul3A_4 = arith.muli %arg1, %mul3A_3 : i32
    "tpu.region"() ({
      %run_scoped3A = tpu.sem_alloc : memref<!tpu.dma_semaphore, #tpu.memory_space<semaphore_mem>>
      %dma_start3A_57 = arith.constant 0 : i32
      %dma_start3A_58 = tpu.memref_slice %arg11[%mul3A_4, %dma_start3A_57] : memref<10000x32xf32, #tpu.memory_space<vmem_shared>> -> memref<625x32xf32, #tpu.memory_space<vmem_shared>>
      %dma_start3A_59 = arith.constant 0 : i32
      %dma_start3A_60 = tpu.memref_slice %arg2[%mul3A_4, %dma_start3A_59] : memref<10000x32xf32, #tpu.memory_space<hbm>> -> memref<625x32xf32, #tpu.memory_space<hbm>>
      tpu.enqueue_dma source(%dma_start3A_60 : memref<625x32xf32, #tpu.memory_space<hbm>>) target(%dma_start3A_58 : memref<625x32xf32, #tpu.memory_space<vmem_shared>>) target_semaphore(%run_scoped3A : memref<!tpu.dma_semaphore, #tpu.memory_space<semaphore_mem>>)
      %dma_wait3A = arith.constant 0 : i32
      %dma_wait3A_61 = tpu.memref_slice %arg11[%mul3A_4, %dma_wait3A] : memref<10000x32xf32, #tpu.memory_space<vmem_shared>> -> memref<625x32xf32, #tpu.memory_space<vmem_shared>>
      %dma_wait3A_62 = arith.constant 0 : i32
      %dma_wait3A_63 = tpu.memref_slice %arg2[%mul3A_4, %dma_wait3A_62] : memref<10000x32xf32, #tpu.memory_space<hbm>> -> memref<625x32xf32, #tpu.memory_space<hbm>>
      tpu.wait_dma2 semaphore(%run_scoped3A : memref<!tpu.dma_semaphore, #tpu.memory_space<semaphore_mem>>) src(%dma_wait3A_63 : memref<625x32xf32, #tpu.memory_space<hbm>>) dst(%dma_wait3A_61 : memref<625x32xf32, #tpu.memory_space<vmem_shared>>)
      tpu.yield
    }) : () -> ()
    "tpu.region"() ({
      %run_scoped3A = tpu.sem_alloc : memref<!tpu.dma_semaphore, #tpu.memory_space<semaphore_mem>>
      %dma_start3A_57 = arith.constant 0 : i32
      %dma_start3A_58 = tpu.memref_slice %arg10[%mul3A_2, %dma_start3A_57] : memref<10240x32xf32, #tpu.memory_space<vmem_shared>> -> memref<640x32xf32, #tpu.memory_space<vmem_shared>>
      %dma_start3A_59 = arith.constant 0 : i32
      %dma_start3A_60 = tpu.memref_slice %arg5[%mul3A_2, %dma_start3A_59] : memref<10240x32xf32, #tpu.memory_space<hbm>> -> memref<640x32xf32, #tpu.memory_space<hbm>>
      tpu.enqueue_dma source(%dma_start3A_60 : memref<640x32xf32, #tpu.memory_space<hbm>>) target(%dma_start3A_58 : memref<640x32xf32, #tpu.memory_space<vmem_shared>>) target_semaphore(%run_scoped3A : memref<!tpu.dma_semaphore, #tpu.memory_space<semaphore_mem>>)
      %dma_wait3A = arith.constant 0 : i32
      %dma_wait3A_61 = tpu.memref_slice %arg10[%mul3A_2, %dma_wait3A] : memref<10240x32xf32, #tpu.memory_space<vmem_shared>> -> memref<640x32xf32, #tpu.memory_space<vmem_shared>>
      %dma_wait3A_62 = arith.constant 0 : i32
      %dma_wait3A_63 = tpu.memref_slice %arg5[%mul3A_2, %dma_wait3A_62] : memref<10240x32xf32, #tpu.memory_space<hbm>> -> memref<640x32xf32, #tpu.memory_space<hbm>>
      tpu.wait_dma2 semaphore(%run_scoped3A : memref<!tpu.dma_semaphore, #tpu.memory_space<semaphore_mem>>) src(%dma_wait3A_63 : memref<640x32xf32, #tpu.memory_space<hbm>>) dst(%dma_wait3A_61 : memref<640x32xf32, #tpu.memory_space<vmem_shared>>)
      tpu.yield
    }) : () -> ()
    "tpu.region"() ({
      %run_scoped3A = tpu.sem_alloc : memref<!tpu.dma_semaphore, #tpu.memory_space<semaphore_mem>>
      %dma_start3A_57 = arith.constant 0 : i32
      %dma_start3A_58 = arith.constant 0 : i32
      %dma_start3A_59 = tpu.memref_slice %arg3[%add3A, %dma_start3A_57, %dma_start3A_58] : memref<32x80x128xi32, #tpu.memory_space<hbm>> -> memref<1x80x128xi32, #tpu.memory_space<hbm>>
      %dma_start3A_60 = tpu.memref_squeeze %dma_start3A_59 : memref<1x80x128xi32, #tpu.memory_space<hbm>> -> memref<80x128xi32, #tpu.memory_space<hbm>>
      %dma_start3A_61 = arith.constant 0 : i32
      %dma_start3A_62 = arith.constant 0 : i32
      %dma_start3A_63 = tpu.memref_slice %arg3[%add3A, %dma_start3A_61, %dma_start3A_62] : memref<32x80x128xi32, #tpu.memory_space<hbm>> -> memref<1x80x128xi32, #tpu.memory_space<hbm>>
      %dma_start3A_64 = tpu.memref_squeeze %dma_start3A_63 : memref<1x80x128xi32, #tpu.memory_space<hbm>> -> memref<80x128xi32, #tpu.memory_space<hbm>>
      tpu.enqueue_dma source(%dma_start3A_64 : memref<80x128xi32, #tpu.memory_space<hbm>>) target(%arg7 : memref<80x128xi32, #tpu.memory_space<vmem>>) target_semaphore(%run_scoped3A : memref<!tpu.dma_semaphore, #tpu.memory_space<semaphore_mem>>)
      %dma_wait3A = arith.constant 0 : i32
      %dma_wait3A_65 = arith.constant 0 : i32
      %dma_wait3A_66 = tpu.memref_slice %arg3[%add3A, %dma_wait3A, %dma_wait3A_65] : memref<32x80x128xi32, #tpu.memory_space<hbm>> -> memref<1x80x128xi32, #tpu.memory_space<hbm>>
      %dma_wait3A_67 = tpu.memref_squeeze %dma_wait3A_66 : memref<1x80x128xi32, #tpu.memory_space<hbm>> -> memref<80x128xi32, #tpu.memory_space<hbm>>
      %dma_wait3A_68 = arith.constant 0 : i32
      %dma_wait3A_69 = arith.constant 0 : i32
      %dma_wait3A_70 = tpu.memref_slice %arg3[%add3A, %dma_wait3A_68, %dma_wait3A_69] : memref<32x80x128xi32, #tpu.memory_space<hbm>> -> memref<1x80x128xi32, #tpu.memory_space<hbm>>
      %dma_wait3A_71 = tpu.memref_squeeze %dma_wait3A_70 : memref<1x80x128xi32, #tpu.memory_space<hbm>> -> memref<80x128xi32, #tpu.memory_space<hbm>>
      tpu.wait_dma2 semaphore(%run_scoped3A : memref<!tpu.dma_semaphore, #tpu.memory_space<semaphore_mem>>) src(%dma_wait3A_71 : memref<80x128xi32, #tpu.memory_space<hbm>>) dst(%arg7 : memref<80x128xi32, #tpu.memory_space<vmem>>)
      tpu.yield
    }) : () -> ()
    "tpu.region"() ({
      %run_scoped3A = tpu.sem_alloc : memref<!tpu.dma_semaphore, #tpu.memory_space<semaphore_mem>>
      %dma_start3A_57 = arith.constant 0 : i32
      %dma_start3A_58 = arith.constant 0 : i32
      %dma_start3A_59 = tpu.memref_slice %arg4[%add3A, %dma_start3A_57, %dma_start3A_58] : memref<32x80x128xi32, #tpu.memory_space<hbm>> -> memref<1x80x128xi32, #tpu.memory_space<hbm>>
      %dma_start3A_60 = tpu.memref_squeeze %dma_start3A_59 : memref<1x80x128xi32, #tpu.memory_space<hbm>> -> memref<80x128xi32, #tpu.memory_space<hbm>>
      %dma_start3A_61 = arith.constant 0 : i32
      %dma_start3A_62 = arith.constant 0 : i32
      %dma_start3A_63 = tpu.memref_slice %arg4[%add3A, %dma_start3A_61, %dma_start3A_62] : memref<32x80x128xi32, #tpu.memory_space<hbm>> -> memref<1x80x128xi32, #tpu.memory_space<hbm>>
      %dma_start3A_64 = tpu.memref_squeeze %dma_start3A_63 : memref<1x80x128xi32, #tpu.memory_space<hbm>> -> memref<80x128xi32, #tpu.memory_space<hbm>>
      tpu.enqueue_dma source(%dma_start3A_64 : memref<80x128xi32, #tpu.memory_space<hbm>>) target(%arg8 : memref<80x128xi32, #tpu.memory_space<vmem>>) target_semaphore(%run_scoped3A : memref<!tpu.dma_semaphore, #tpu.memory_space<semaphore_mem>>)
      %dma_wait3A = arith.constant 0 : i32
      %dma_wait3A_65 = arith.constant 0 : i32
      %dma_wait3A_66 = tpu.memref_slice %arg4[%add3A, %dma_wait3A, %dma_wait3A_65] : memref<32x80x128xi32, #tpu.memory_space<hbm>> -> memref<1x80x128xi32, #tpu.memory_space<hbm>>
      %dma_wait3A_67 = tpu.memref_squeeze %dma_wait3A_66 : memref<1x80x128xi32, #tpu.memory_space<hbm>> -> memref<80x128xi32, #tpu.memory_space<hbm>>
      %dma_wait3A_68 = arith.constant 0 : i32
      %dma_wait3A_69 = arith.constant 0 : i32
      %dma_wait3A_70 = tpu.memref_slice %arg4[%add3A, %dma_wait3A_68, %dma_wait3A_69] : memref<32x80x128xi32, #tpu.memory_space<hbm>> -> memref<1x80x128xi32, #tpu.memory_space<hbm>>
      %dma_wait3A_71 = tpu.memref_squeeze %dma_wait3A_70 : memref<1x80x128xi32, #tpu.memory_space<hbm>> -> memref<80x128xi32, #tpu.memory_space<hbm>>
      tpu.wait_dma2 semaphore(%run_scoped3A : memref<!tpu.dma_semaphore, #tpu.memory_space<semaphore_mem>>) src(%dma_wait3A_71 : memref<80x128xi32, #tpu.memory_space<hbm>>) dst(%arg8 : memref<80x128xi32, #tpu.memory_space<vmem>>)
      tpu.yield
    }) : () -> ()
    %barrier3A = arith.constant 0 : index
    tpu.barrier barrier_id(%barrier3A)
    %dma_start3A = arith.constant 0 : i32
    %dma_start3A_5 = arith.constant 0 : i32
    %dma_start3A_6 = arith.constant 0 : i32
    %dma_start3A_7 = arith.constant 0 : i32
    %dma_start3A_8 = tpu.memref_slice %arg9[%dma_start3A_5, %dma_start3A_6, %dma_start3A_7] : memref<4x128x32xf32, #tpu.memory_space<vmem>> -> memref<1x128x32xf32, #tpu.memory_space<vmem>>
    %dma_start3A_9 = tpu.memref_squeeze %dma_start3A_8 : memref<1x128x32xf32, #tpu.memory_space<vmem>> -> memref<128x32xf32, #tpu.memory_space<vmem>>
    %dma_start3A_10 = arith.constant 0 : i32
    %dma_start3A_11 = tpu.memref_slice %arg7[%dma_start3A, %dma_start3A_10] : memref<80x128xi32, #tpu.memory_space<vmem>> -> memref<1x128xi32, #tpu.memory_space<vmem>>
    %dma_start3A_12 = tpu.memref_squeeze %dma_start3A_11 : memref<1x128xi32, #tpu.memory_space<vmem>> -> memref<128xi32, #tpu.memory_space<vmem>>
    %dma_start3A_13 = arith.constant 0 : i32
    %dma_start3A_14 = arith.constant 0 : i32
    %dma_start3A_15 = tpu.memref_slice %arg11[%dma_start3A_13, %dma_start3A_14] : memref<10000x32xf32, #tpu.memory_space<vmem_shared>> -> memref<10000x32xf32, #tpu.memory_space<vmem_shared>>
    tpu.enqueue_indirect_dma source(%dma_start3A_15 : memref<10000x32xf32, #tpu.memory_space<vmem_shared>>) target(%dma_start3A_9 : memref<128x32xf32, #tpu.memory_space<vmem>>) offsets(%dma_start3A_12 : memref<128xi32, #tpu.memory_space<vmem>>) semaphore(%arg12 : memref<!tpu.dma_semaphore, #tpu.memory_space<semaphore_mem>>)
    %dma_start3A_16 = arith.constant 1 : i32
    %dma_start3A_17 = arith.constant 1 : i32
    %dma_start3A_18 = arith.constant 0 : i32
    %dma_start3A_19 = arith.constant 0 : i32
    %dma_start3A_20 = tpu.memref_slice %arg9[%dma_start3A_17, %dma_start3A_18, %dma_start3A_19] : memref<4x128x32xf32, #tpu.memory_space<vmem>> -> memref<1x128x32xf32, #tpu.memory_space<vmem>>
    %dma_start3A_21 = tpu.memref_squeeze %dma_start3A_20 : memref<1x128x32xf32, #tpu.memory_space<vmem>> -> memref<128x32xf32, #tpu.memory_space<vmem>>
    %dma_start3A_22 = arith.constant 0 : i32
    %dma_start3A_23 = tpu.memref_slice %arg7[%dma_start3A_16, %dma_start3A_22] : memref<80x128xi32, #tpu.memory_space<vmem>> -> memref<1x128xi32, #tpu.memory_space<vmem>>
    %dma_start3A_24 = tpu.memref_squeeze %dma_start3A_23 : memref<1x128xi32, #tpu.memory_space<vmem>> -> memref<128xi32, #tpu.memory_space<vmem>>
    %dma_start3A_25 = arith.constant 0 : i32
    %dma_start3A_26 = arith.constant 0 : i32
    %dma_start3A_27 = tpu.memref_slice %arg11[%dma_start3A_25, %dma_start3A_26] : memref<10000x32xf32, #tpu.memory_space<vmem_shared>> -> memref<10000x32xf32, #tpu.memory_space<vmem_shared>>
    tpu.enqueue_indirect_dma source(%dma_start3A_27 : memref<10000x32xf32, #tpu.memory_space<vmem_shared>>) target(%dma_start3A_21 : memref<128x32xf32, #tpu.memory_space<vmem>>) offsets(%dma_start3A_24 : memref<128xi32, #tpu.memory_space<vmem>>) semaphore(%arg13 : memref<!tpu.dma_semaphore, #tpu.memory_space<semaphore_mem>>)
    %dma_start3A_28 = arith.constant 2 : i32
    %dma_start3A_29 = arith.constant 2 : i32
    %dma_start3A_30 = arith.constant 0 : i32
    %dma_start3A_31 = arith.constant 0 : i32
    %dma_start3A_32 = tpu.memref_slice %arg9[%dma_start3A_29, %dma_start3A_30, %dma_start3A_31] : memref<4x128x32xf32, #tpu.memory_space<vmem>> -> memref<1x128x32xf32, #tpu.memory_space<vmem>>
    %dma_start3A_33 = tpu.memref_squeeze %dma_start3A_32 : memref<1x128x32xf32, #tpu.memory_space<vmem>> -> memref<128x32xf32, #tpu.memory_space<vmem>>
    %dma_start3A_34 = arith.constant 0 : i32
    %dma_start3A_35 = tpu.memref_slice %arg7[%dma_start3A_28, %dma_start3A_34] : memref<80x128xi32, #tpu.memory_space<vmem>> -> memref<1x128xi32, #tpu.memory_space<vmem>>
    %dma_start3A_36 = tpu.memref_squeeze %dma_start3A_35 : memref<1x128xi32, #tpu.memory_space<vmem>> -> memref<128xi32, #tpu.memory_space<vmem>>
    %dma_start3A_37 = arith.constant 0 : i32
    %dma_start3A_38 = arith.constant 0 : i32
    %dma_start3A_39 = tpu.memref_slice %arg11[%dma_start3A_37, %dma_start3A_38] : memref<10000x32xf32, #tpu.memory_space<vmem_shared>> -> memref<10000x32xf32, #tpu.memory_space<vmem_shared>>
    tpu.enqueue_indirect_dma source(%dma_start3A_39 : memref<10000x32xf32, #tpu.memory_space<vmem_shared>>) target(%dma_start3A_33 : memref<128x32xf32, #tpu.memory_space<vmem>>) offsets(%dma_start3A_36 : memref<128xi32, #tpu.memory_space<vmem>>) semaphore(%arg14 : memref<!tpu.dma_semaphore, #tpu.memory_space<semaphore_mem>>)
    %dma_start3A_40 = arith.constant 3 : i32
    %dma_start3A_41 = arith.constant 3 : i32
    %dma_start3A_42 = arith.constant 0 : i32
    %dma_start3A_43 = arith.constant 0 : i32
    %dma_start3A_44 = tpu.memref_slice %arg9[%dma_start3A_41, %dma_start3A_42, %dma_start3A_43] : memref<4x128x32xf32, #tpu.memory_space<vmem>> -> memref<1x128x32xf32, #tpu.memory_space<vmem>>
    %dma_start3A_45 = tpu.memref_squeeze %dma_start3A_44 : memref<1x128x32xf32, #tpu.memory_space<vmem>> -> memref<128x32xf32, #tpu.memory_space<vmem>>
    %dma_start3A_46 = arith.constant 0 : i32
    %dma_start3A_47 = tpu.memref_slice %arg7[%dma_start3A_40, %dma_start3A_46] : memref<80x128xi32, #tpu.memory_space<vmem>> -> memref<1x128xi32, #tpu.memory_space<vmem>>
    %dma_start3A_48 = tpu.memref_squeeze %dma_start3A_47 : memref<1x128xi32, #tpu.memory_space<vmem>> -> memref<128xi32, #tpu.memory_space<vmem>>
    %dma_start3A_49 = arith.constant 0 : i32
    %dma_start3A_50 = arith.constant 0 : i32
    %dma_start3A_51 = tpu.memref_slice %arg11[%dma_start3A_49, %dma_start3A_50] : memref<10000x32xf32, #tpu.memory_space<vmem_shared>> -> memref<10000x32xf32, #tpu.memory_space<vmem_shared>>
    tpu.enqueue_indirect_dma source(%dma_start3A_51 : memref<10000x32xf32, #tpu.memory_space<vmem_shared>>) target(%dma_start3A_45 : memref<128x32xf32, #tpu.memory_space<vmem>>) offsets(%dma_start3A_48 : memref<128xi32, #tpu.memory_space<vmem>>) semaphore(%arg15 : memref<!tpu.dma_semaphore, #tpu.memory_space<semaphore_mem>>)
    %scan3A = arith.constant 0 : i32
    %scan3A_52 = arith.constant 20 : i32
    %scan3A_53 = arith.addi %scan3A, %scan3A_52 : i32
    %scan3A_54 = arith.constant 1 : i32
    scf.for %scan3A_57 = %scan3A to %scan3A_53 step %scan3A_54  : i32 {
      %mul3A_58 = arith.constant 1 : i32
      %mul3A_59 = arith.muli %scan3A_57, %mul3A_58 : i32
      %add3A_60 = arith.constant 0 : i32
      %add3A_61 = arith.addi %add3A_60, %mul3A_59 : i32
      %mul3A_62 = arith.constant 4 : i32
      %mul3A_63 = arith.muli %add3A_61, %mul3A_62 : i32
      %add3A_64 = arith.constant 0 : i32
      %add3A_65 = arith.addi %mul3A_63, %add3A_64 : i32
      %dma_wait3A = arith.constant 0 : i32
      %dma_wait3A_66 = arith.constant 0 : i32
      %dma_wait3A_67 = arith.constant 0 : i32
      %dma_wait3A_68 = tpu.memref_slice %arg9[%dma_wait3A, %dma_wait3A_66, %dma_wait3A_67] : memref<4x128x32xf32, #tpu.memory_space<vmem>> -> memref<1x128x32xf32, #tpu.memory_space<vmem>>
      %dma_wait3A_69 = tpu.memref_squeeze %dma_wait3A_68 : memref<1x128x32xf32, #tpu.memory_space<vmem>> -> memref<128x32xf32, #tpu.memory_space<vmem>>
      %dma_wait3A_70 = arith.constant 0 : i32
      %dma_wait3A_71 = tpu.memref_slice %arg7[%add3A_65, %dma_wait3A_70] : memref<80x128xi32, #tpu.memory_space<vmem>> -> memref<1x128xi32, #tpu.memory_space<vmem>>
      %dma_wait3A_72 = tpu.memref_squeeze %dma_wait3A_71 : memref<1x128xi32, #tpu.memory_space<vmem>> -> memref<128xi32, #tpu.memory_space<vmem>>
      %dma_wait3A_73 = arith.constant 0 : i32
      %dma_wait3A_74 = arith.constant 0 : i32
      %dma_wait3A_75 = tpu.memref_slice %arg11[%dma_wait3A_73, %dma_wait3A_74] : memref<10000x32xf32, #tpu.memory_space<vmem_shared>> -> memref<10000x32xf32, #tpu.memory_space<vmem_shared>>
      tpu.wait_indirect_dma semaphore(%arg12 : memref<!tpu.dma_semaphore, #tpu.memory_space<semaphore_mem>>) src(%dma_wait3A_75 : memref<10000x32xf32, #tpu.memory_space<vmem_shared>>) dst(%dma_wait3A_69 : memref<128x32xf32, #tpu.memory_space<vmem>>)
      %add3A_76 = arith.constant 0 : i32
      %add3A_77 = arith.addi %mul3A_63, %add3A_76 : i32
      %dma_start3A_78 = arith.constant 0 : i32
      %dma_start3A_79 = arith.constant 0 : i32
      %dma_start3A_80 = arith.constant 0 : i32
      %dma_start3A_81 = tpu.memref_slice %arg9[%dma_start3A_78, %dma_start3A_79, %dma_start3A_80] : memref<4x128x32xf32, #tpu.memory_space<vmem>> -> memref<1x128x32xf32, #tpu.memory_space<vmem>>
      %dma_start3A_82 = tpu.memref_squeeze %dma_start3A_81 : memref<1x128x32xf32, #tpu.memory_space<vmem>> -> memref<128x32xf32, #tpu.memory_space<vmem>>
      %dma_start3A_83 = arith.constant 0 : i32
      %dma_start3A_84 = tpu.memref_slice %arg8[%add3A_77, %dma_start3A_83] : memref<80x128xi32, #tpu.memory_space<vmem>> -> memref<1x128xi32, #tpu.memory_space<vmem>>
      %dma_start3A_85 = tpu.memref_squeeze %dma_start3A_84 : memref<1x128xi32, #tpu.memory_space<vmem>> -> memref<128xi32, #tpu.memory_space<vmem>>
      %dma_start3A_86 = arith.constant 0 : i32
      %dma_start3A_87 = arith.constant 0 : i32
      %dma_start3A_88 = tpu.memref_slice %arg10[%dma_start3A_86, %dma_start3A_87] : memref<10240x32xf32, #tpu.memory_space<vmem_shared>> -> memref<10240x32xf32, #tpu.memory_space<vmem_shared>>
      tpu.enqueue_indirect_dma source(%dma_start3A_82 : memref<128x32xf32, #tpu.memory_space<vmem>>) target(%dma_start3A_88 : memref<10240x32xf32, #tpu.memory_space<vmem_shared>>) offsets(%dma_start3A_85 : memref<128xi32, #tpu.memory_space<vmem>>) semaphore(%arg16 : memref<!tpu.dma_semaphore, #tpu.memory_space<semaphore_mem>>) {add = true}
      %add3A_89 = arith.constant 1 : i32
      %add3A_90 = arith.addi %mul3A_63, %add3A_89 : i32
      %dma_wait3A_91 = arith.constant 1 : i32
      %dma_wait3A_92 = arith.constant 0 : i32
      %dma_wait3A_93 = arith.constant 0 : i32
      %dma_wait3A_94 = tpu.memref_slice %arg9[%dma_wait3A_91, %dma_wait3A_92, %dma_wait3A_93] : memref<4x128x32xf32, #tpu.memory_space<vmem>> -> memref<1x128x32xf32, #tpu.memory_space<vmem>>
      %dma_wait3A_95 = tpu.memref_squeeze %dma_wait3A_94 : memref<1x128x32xf32, #tpu.memory_space<vmem>> -> memref<128x32xf32, #tpu.memory_space<vmem>>
      %dma_wait3A_96 = arith.constant 0 : i32
      %dma_wait3A_97 = tpu.memref_slice %arg7[%add3A_90, %dma_wait3A_96] : memref<80x128xi32, #tpu.memory_space<vmem>> -> memref<1x128xi32, #tpu.memory_space<vmem>>
      %dma_wait3A_98 = tpu.memref_squeeze %dma_wait3A_97 : memref<1x128xi32, #tpu.memory_space<vmem>> -> memref<128xi32, #tpu.memory_space<vmem>>
      %dma_wait3A_99 = arith.constant 0 : i32
      %dma_wait3A_100 = arith.constant 0 : i32
      %dma_wait3A_101 = tpu.memref_slice %arg11[%dma_wait3A_99, %dma_wait3A_100] : memref<10000x32xf32, #tpu.memory_space<vmem_shared>> -> memref<10000x32xf32, #tpu.memory_space<vmem_shared>>
      tpu.wait_indirect_dma semaphore(%arg13 : memref<!tpu.dma_semaphore, #tpu.memory_space<semaphore_mem>>) src(%dma_wait3A_101 : memref<10000x32xf32, #tpu.memory_space<vmem_shared>>) dst(%dma_wait3A_95 : memref<128x32xf32, #tpu.memory_space<vmem>>)
      %add3A_102 = arith.constant 1 : i32
      %add3A_103 = arith.addi %mul3A_63, %add3A_102 : i32
      %dma_start3A_104 = arith.constant 1 : i32
      %dma_start3A_105 = arith.constant 0 : i32
      %dma_start3A_106 = arith.constant 0 : i32
      %dma_start3A_107 = tpu.memref_slice %arg9[%dma_start3A_104, %dma_start3A_105, %dma_start3A_106] : memref<4x128x32xf32, #tpu.memory_space<vmem>> -> memref<1x128x32xf32, #tpu.memory_space<vmem>>
      %dma_start3A_108 = tpu.memref_squeeze %dma_start3A_107 : memref<1x128x32xf32, #tpu.memory_space<vmem>> -> memref<128x32xf32, #tpu.memory_space<vmem>>
      %dma_start3A_109 = arith.constant 0 : i32
      %dma_start3A_110 = tpu.memref_slice %arg8[%add3A_103, %dma_start3A_109] : memref<80x128xi32, #tpu.memory_space<vmem>> -> memref<1x128xi32, #tpu.memory_space<vmem>>
      %dma_start3A_111 = tpu.memref_squeeze %dma_start3A_110 : memref<1x128xi32, #tpu.memory_space<vmem>> -> memref<128xi32, #tpu.memory_space<vmem>>
      %dma_start3A_112 = arith.constant 0 : i32
      %dma_start3A_113 = arith.constant 0 : i32
      %dma_start3A_114 = tpu.memref_slice %arg10[%dma_start3A_112, %dma_start3A_113] : memref<10240x32xf32, #tpu.memory_space<vmem_shared>> -> memref<10240x32xf32, #tpu.memory_space<vmem_shared>>
      tpu.enqueue_indirect_dma source(%dma_start3A_108 : memref<128x32xf32, #tpu.memory_space<vmem>>) target(%dma_start3A_114 : memref<10240x32xf32, #tpu.memory_space<vmem_shared>>) offsets(%dma_start3A_111 : memref<128xi32, #tpu.memory_space<vmem>>) semaphore(%arg17 : memref<!tpu.dma_semaphore, #tpu.memory_space<semaphore_mem>>) {add = true}
      %add3A_115 = arith.constant 2 : i32
      %add3A_116 = arith.addi %mul3A_63, %add3A_115 : i32
      %dma_wait3A_117 = arith.constant 2 : i32
      %dma_wait3A_118 = arith.constant 0 : i32
      %dma_wait3A_119 = arith.constant 0 : i32
      %dma_wait3A_120 = tpu.memref_slice %arg9[%dma_wait3A_117, %dma_wait3A_118, %dma_wait3A_119] : memref<4x128x32xf32, #tpu.memory_space<vmem>> -> memref<1x128x32xf32, #tpu.memory_space<vmem>>
      %dma_wait3A_121 = tpu.memref_squeeze %dma_wait3A_120 : memref<1x128x32xf32, #tpu.memory_space<vmem>> -> memref<128x32xf32, #tpu.memory_space<vmem>>
      %dma_wait3A_122 = arith.constant 0 : i32
      %dma_wait3A_123 = tpu.memref_slice %arg7[%add3A_116, %dma_wait3A_122] : memref<80x128xi32, #tpu.memory_space<vmem>> -> memref<1x128xi32, #tpu.memory_space<vmem>>
      %dma_wait3A_124 = tpu.memref_squeeze %dma_wait3A_123 : memref<1x128xi32, #tpu.memory_space<vmem>> -> memref<128xi32, #tpu.memory_space<vmem>>
      %dma_wait3A_125 = arith.constant 0 : i32
      %dma_wait3A_126 = arith.constant 0 : i32
      %dma_wait3A_127 = tpu.memref_slice %arg11[%dma_wait3A_125, %dma_wait3A_126] : memref<10000x32xf32, #tpu.memory_space<vmem_shared>> -> memref<10000x32xf32, #tpu.memory_space<vmem_shared>>
      tpu.wait_indirect_dma semaphore(%arg14 : memref<!tpu.dma_semaphore, #tpu.memory_space<semaphore_mem>>) src(%dma_wait3A_127 : memref<10000x32xf32, #tpu.memory_space<vmem_shared>>) dst(%dma_wait3A_121 : memref<128x32xf32, #tpu.memory_space<vmem>>)
      %add3A_128 = arith.constant 2 : i32
      %add3A_129 = arith.addi %mul3A_63, %add3A_128 : i32
      %dma_start3A_130 = arith.constant 2 : i32
      %dma_start3A_131 = arith.constant 0 : i32
      %dma_start3A_132 = arith.constant 0 : i32
      %dma_start3A_133 = tpu.memref_slice %arg9[%dma_start3A_130, %dma_start3A_131, %dma_start3A_132] : memref<4x128x32xf32, #tpu.memory_space<vmem>> -> memref<1x128x32xf32, #tpu.memory_space<vmem>>
      %dma_start3A_134 = tpu.memref_squeeze %dma_start3A_133 : memref<1x128x32xf32, #tpu.memory_space<vmem>> -> memref<128x32xf32, #tpu.memory_space<vmem>>
      %dma_start3A_135 = arith.constant 0 : i32
      %dma_start3A_136 = tpu.memref_slice %arg8[%add3A_129, %dma_start3A_135] : memref<80x128xi32, #tpu.memory_space<vmem>> -> memref<1x128xi32, #tpu.memory_space<vmem>>
      %dma_start3A_137 = tpu.memref_squeeze %dma_start3A_136 : memref<1x128xi32, #tpu.memory_space<vmem>> -> memref<128xi32, #tpu.memory_space<vmem>>
      %dma_start3A_138 = arith.constant 0 : i32
      %dma_start3A_139 = arith.constant 0 : i32
      %dma_start3A_140 = tpu.memref_slice %arg10[%dma_start3A_138, %dma_start3A_139] : memref<10240x32xf32, #tpu.memory_space<vmem_shared>> -> memref<10240x32xf32, #tpu.memory_space<vmem_shared>>
      tpu.enqueue_indirect_dma source(%dma_start3A_134 : memref<128x32xf32, #tpu.memory_space<vmem>>) target(%dma_start3A_140 : memref<10240x32xf32, #tpu.memory_space<vmem_shared>>) offsets(%dma_start3A_137 : memref<128xi32, #tpu.memory_space<vmem>>) semaphore(%arg18 : memref<!tpu.dma_semaphore, #tpu.memory_space<semaphore_mem>>) {add = true}
      %add3A_141 = arith.constant 3 : i32
      %add3A_142 = arith.addi %mul3A_63, %add3A_141 : i32
      %dma_wait3A_143 = arith.constant 3 : i32
      %dma_wait3A_144 = arith.constant 0 : i32
      %dma_wait3A_145 = arith.constant 0 : i32
      %dma_wait3A_146 = tpu.memref_slice %arg9[%dma_wait3A_143, %dma_wait3A_144, %dma_wait3A_145] : memref<4x128x32xf32, #tpu.memory_space<vmem>> -> memref<1x128x32xf32, #tpu.memory_space<vmem>>
      %dma_wait3A_147 = tpu.memref_squeeze %dma_wait3A_146 : memref<1x128x32xf32, #tpu.memory_space<vmem>> -> memref<128x32xf32, #tpu.memory_space<vmem>>
      %dma_wait3A_148 = arith.constant 0 : i32
      %dma_wait3A_149 = tpu.memref_slice %arg7[%add3A_142, %dma_wait3A_148] : memref<80x128xi32, #tpu.memory_space<vmem>> -> memref<1x128xi32, #tpu.memory_space<vmem>>
      %dma_wait3A_150 = tpu.memref_squeeze %dma_wait3A_149 : memref<1x128xi32, #tpu.memory_space<vmem>> -> memref<128xi32, #tpu.memory_space<vmem>>
      %dma_wait3A_151 = arith.constant 0 : i32
      %dma_wait3A_152 = arith.constant 0 : i32
      %dma_wait3A_153 = tpu.memref_slice %arg11[%dma_wait3A_151, %dma_wait3A_152] : memref<10000x32xf32, #tpu.memory_space<vmem_shared>> -> memref<10000x32xf32, #tpu.memory_space<vmem_shared>>
      tpu.wait_indirect_dma semaphore(%arg15 : memref<!tpu.dma_semaphore, #tpu.memory_space<semaphore_mem>>) src(%dma_wait3A_153 : memref<10000x32xf32, #tpu.memory_space<vmem_shared>>) dst(%dma_wait3A_147 : memref<128x32xf32, #tpu.memory_space<vmem>>)
      %add3A_154 = arith.constant 3 : i32
      %add3A_155 = arith.addi %mul3A_63, %add3A_154 : i32
      %dma_start3A_156 = arith.constant 3 : i32
      %dma_start3A_157 = arith.constant 0 : i32
      %dma_start3A_158 = arith.constant 0 : i32
      %dma_start3A_159 = tpu.memref_slice %arg9[%dma_start3A_156, %dma_start3A_157, %dma_start3A_158] : memref<4x128x32xf32, #tpu.memory_space<vmem>> -> memref<1x128x32xf32, #tpu.memory_space<vmem>>
      %dma_start3A_160 = tpu.memref_squeeze %dma_start3A_159 : memref<1x128x32xf32, #tpu.memory_space<vmem>> -> memref<128x32xf32, #tpu.memory_space<vmem>>
      %dma_start3A_161 = arith.constant 0 : i32
      %dma_start3A_162 = tpu.memref_slice %arg8[%add3A_155, %dma_start3A_161] : memref<80x128xi32, #tpu.memory_space<vmem>> -> memref<1x128xi32, #tpu.memory_space<vmem>>
      %dma_start3A_163 = tpu.memref_squeeze %dma_start3A_162 : memref<1x128xi32, #tpu.memory_space<vmem>> -> memref<128xi32, #tpu.memory_space<vmem>>
      %dma_start3A_164 = arith.constant 0 : i32
      %dma_start3A_165 = arith.constant 0 : i32
      %dma_start3A_166 = tpu.memref_slice %arg10[%dma_start3A_164, %dma_start3A_165] : memref<10240x32xf32, #tpu.memory_space<vmem_shared>> -> memref<10240x32xf32, #tpu.memory_space<vmem_shared>>
      tpu.enqueue_indirect_dma source(%dma_start3A_160 : memref<128x32xf32, #tpu.memory_space<vmem>>) target(%dma_start3A_166 : memref<10240x32xf32, #tpu.memory_space<vmem_shared>>) offsets(%dma_start3A_163 : memref<128xi32, #tpu.memory_space<vmem>>) semaphore(%arg19 : memref<!tpu.dma_semaphore, #tpu.memory_space<semaphore_mem>>) {add = true}
      %add3A_167 = arith.constant 0 : i32
      %add3A_168 = arith.addi %mul3A_63, %add3A_167 : i32
      %dma_wait3A_169 = arith.constant 0 : i32
      %dma_wait3A_170 = arith.constant 0 : i32
      %dma_wait3A_171 = arith.constant 0 : i32
      %dma_wait3A_172 = tpu.memref_slice %arg9[%dma_wait3A_169, %dma_wait3A_170, %dma_wait3A_171] : memref<4x128x32xf32, #tpu.memory_space<vmem>> -> memref<1x128x32xf32, #tpu.memory_space<vmem>>
      %dma_wait3A_173 = tpu.memref_squeeze %dma_wait3A_172 : memref<1x128x32xf32, #tpu.memory_space<vmem>> -> memref<128x32xf32, #tpu.memory_space<vmem>>
      %dma_wait3A_174 = arith.constant 0 : i32
      %dma_wait3A_175 = tpu.memref_slice %arg8[%add3A_168, %dma_wait3A_174] : memref<80x128xi32, #tpu.memory_space<vmem>> -> memref<1x128xi32, #tpu.memory_space<vmem>>
      %dma_wait3A_176 = tpu.memref_squeeze %dma_wait3A_175 : memref<1x128xi32, #tpu.memory_space<vmem>> -> memref<128xi32, #tpu.memory_space<vmem>>
      %dma_wait3A_177 = arith.constant 0 : i32
      %dma_wait3A_178 = arith.constant 0 : i32
      %dma_wait3A_179 = tpu.memref_slice %arg10[%dma_wait3A_177, %dma_wait3A_178] : memref<10240x32xf32, #tpu.memory_space<vmem_shared>> -> memref<10240x32xf32, #tpu.memory_space<vmem_shared>>
      tpu.wait_indirect_dma semaphore(%arg16 : memref<!tpu.dma_semaphore, #tpu.memory_space<semaphore_mem>>) src(%dma_wait3A_173 : memref<128x32xf32, #tpu.memory_space<vmem>>) dst(%dma_wait3A_179 : memref<10240x32xf32, #tpu.memory_space<vmem_shared>>)
      %add3A_180 = arith.constant 0 : i32
      %add3A_181 = arith.addi %mul3A_63, %add3A_180 : i32
      %add3A_182 = arith.constant 4 : i32
      %add3A_183 = arith.addi %add3A_181, %add3A_182 : i32
      %lt3A = arith.constant 80 : i32
      %lt3A_184 = arith.cmpi slt, %add3A_183, %lt3A : i32
      %convert_element_type3A = arith.extui %lt3A_184 : i1 to i32
      %cond3A = arith.constant 0 : i32
      %cond3A_185 = arith.cmpi ne, %convert_element_type3A, %cond3A : i32
      scf.if %cond3A_185 {
        %add3A_252 = arith.constant 0 : i32
        %add3A_253 = arith.addi %mul3A_63, %add3A_252 : i32
        %add3A_254 = arith.constant 4 : i32
        %add3A_255 = arith.addi %add3A_253, %add3A_254 : i32
        %dma_start3A_256 = arith.constant 0 : i32
        %dma_start3A_257 = arith.constant 0 : i32
        %dma_start3A_258 = arith.constant 0 : i32
        %dma_start3A_259 = tpu.memref_slice %arg9[%dma_start3A_256, %dma_start3A_257, %dma_start3A_258] : memref<4x128x32xf32, #tpu.memory_space<vmem>> -> memref<1x128x32xf32, #tpu.memory_space<vmem>>
        %dma_start3A_260 = tpu.memref_squeeze %dma_start3A_259 : memref<1x128x32xf32, #tpu.memory_space<vmem>> -> memref<128x32xf32, #tpu.memory_space<vmem>>
        %dma_start3A_261 = arith.constant 0 : i32
        %dma_start3A_262 = tpu.memref_slice %arg7[%add3A_255, %dma_start3A_261] : memref<80x128xi32, #tpu.memory_space<vmem>> -> memref<1x128xi32, #tpu.memory_space<vmem>>
        %dma_start3A_263 = tpu.memref_squeeze %dma_start3A_262 : memref<1x128xi32, #tpu.memory_space<vmem>> -> memref<128xi32, #tpu.memory_space<vmem>>
        %dma_start3A_264 = arith.constant 0 : i32
        %dma_start3A_265 = arith.constant 0 : i32
        %dma_start3A_266 = tpu.memref_slice %arg11[%dma_start3A_264, %dma_start3A_265] : memref<10000x32xf32, #tpu.memory_space<vmem_shared>> -> memref<10000x32xf32, #tpu.memory_space<vmem_shared>>
        tpu.enqueue_indirect_dma source(%dma_start3A_266 : memref<10000x32xf32, #tpu.memory_space<vmem_shared>>) target(%dma_start3A_260 : memref<128x32xf32, #tpu.memory_space<vmem>>) offsets(%dma_start3A_263 : memref<128xi32, #tpu.memory_space<vmem>>) semaphore(%arg12 : memref<!tpu.dma_semaphore, #tpu.memory_space<semaphore_mem>>)
      } else {
      }
      %add3A_186 = arith.constant 1 : i32
      %add3A_187 = arith.addi %mul3A_63, %add3A_186 : i32
      %dma_wait3A_188 = arith.constant 1 : i32
      %dma_wait3A_189 = arith.constant 0 : i32
      %dma_wait3A_190 = arith.constant 0 : i32
      %dma_wait3A_191 = tpu.memref_slice %arg9[%dma_wait3A_188, %dma_wait3A_189, %dma_wait3A_190] : memref<4x128x32xf32, #tpu.memory_space<vmem>> -> memref<1x128x32xf32, #tpu.memory_space<vmem>>
      %dma_wait3A_192 = tpu.memref_squeeze %dma_wait3A_191 : memref<1x128x32xf32, #tpu.memory_space<vmem>> -> memref<128x32xf32, #tpu.memory_space<vmem>>
      %dma_wait3A_193 = arith.constant 0 : i32
      %dma_wait3A_194 = tpu.memref_slice %arg8[%add3A_187, %dma_wait3A_193] : memref<80x128xi32, #tpu.memory_space<vmem>> -> memref<1x128xi32, #tpu.memory_space<vmem>>
      %dma_wait3A_195 = tpu.memref_squeeze %dma_wait3A_194 : memref<1x128xi32, #tpu.memory_space<vmem>> -> memref<128xi32, #tpu.memory_space<vmem>>
      %dma_wait3A_196 = arith.constant 0 : i32
      %dma_wait3A_197 = arith.constant 0 : i32
      %dma_wait3A_198 = tpu.memref_slice %arg10[%dma_wait3A_196, %dma_wait3A_197] : memref<10240x32xf32, #tpu.memory_space<vmem_shared>> -> memref<10240x32xf32, #tpu.memory_space<vmem_shared>>
      tpu.wait_indirect_dma semaphore(%arg17 : memref<!tpu.dma_semaphore, #tpu.memory_space<semaphore_mem>>) src(%dma_wait3A_192 : memref<128x32xf32, #tpu.memory_space<vmem>>) dst(%dma_wait3A_198 : memref<10240x32xf32, #tpu.memory_space<vmem_shared>>)
      %add3A_199 = arith.constant 1 : i32
      %add3A_200 = arith.addi %mul3A_63, %add3A_199 : i32
      %add3A_201 = arith.constant 4 : i32
      %add3A_202 = arith.addi %add3A_200, %add3A_201 : i32
      %lt3A_203 = arith.constant 80 : i32
      %lt3A_204 = arith.cmpi slt, %add3A_202, %lt3A_203 : i32
      %convert_element_type3A_205 = arith.extui %lt3A_204 : i1 to i32
      %cond3A_206 = arith.constant 0 : i32
      %cond3A_207 = arith.cmpi ne, %convert_element_type3A_205, %cond3A_206 : i32
      scf.if %cond3A_207 {
        %add3A_252 = arith.constant 1 : i32
        %add3A_253 = arith.addi %mul3A_63, %add3A_252 : i32
        %add3A_254 = arith.constant 4 : i32
        %add3A_255 = arith.addi %add3A_253, %add3A_254 : i32
        %dma_start3A_256 = arith.constant 1 : i32
        %dma_start3A_257 = arith.constant 0 : i32
        %dma_start3A_258 = arith.constant 0 : i32
        %dma_start3A_259 = tpu.memref_slice %arg9[%dma_start3A_256, %dma_start3A_257, %dma_start3A_258] : memref<4x128x32xf32, #tpu.memory_space<vmem>> -> memref<1x128x32xf32, #tpu.memory_space<vmem>>
        %dma_start3A_260 = tpu.memref_squeeze %dma_start3A_259 : memref<1x128x32xf32, #tpu.memory_space<vmem>> -> memref<128x32xf32, #tpu.memory_space<vmem>>
        %dma_start3A_261 = arith.constant 0 : i32
        %dma_start3A_262 = tpu.memref_slice %arg7[%add3A_255, %dma_start3A_261] : memref<80x128xi32, #tpu.memory_space<vmem>> -> memref<1x128xi32, #tpu.memory_space<vmem>>
        %dma_start3A_263 = tpu.memref_squeeze %dma_start3A_262 : memref<1x128xi32, #tpu.memory_space<vmem>> -> memref<128xi32, #tpu.memory_space<vmem>>
        %dma_start3A_264 = arith.constant 0 : i32
        %dma_start3A_265 = arith.constant 0 : i32
        %dma_start3A_266 = tpu.memref_slice %arg11[%dma_start3A_264, %dma_start3A_265] : memref<10000x32xf32, #tpu.memory_space<vmem_shared>> -> memref<10000x32xf32, #tpu.memory_space<vmem_shared>>
        tpu.enqueue_indirect_dma source(%dma_start3A_266 : memref<10000x32xf32, #tpu.memory_space<vmem_shared>>) target(%dma_start3A_260 : memref<128x32xf32, #tpu.memory_space<vmem>>) offsets(%dma_start3A_263 : memref<128xi32, #tpu.memory_space<vmem>>) semaphore(%arg13 : memref<!tpu.dma_semaphore, #tpu.memory_space<semaphore_mem>>)
      } else {
      }
      %add3A_208 = arith.constant 2 : i32
      %add3A_209 = arith.addi %mul3A_63, %add3A_208 : i32
      %dma_wait3A_210 = arith.constant 2 : i32
      %dma_wait3A_211 = arith.constant 0 : i32
      %dma_wait3A_212 = arith.constant 0 : i32
      %dma_wait3A_213 = tpu.memref_slice %arg9[%dma_wait3A_210, %dma_wait3A_211, %dma_wait3A_212] : memref<4x128x32xf32, #tpu.memory_space<vmem>> -> memref<1x128x32xf32, #tpu.memory_space<vmem>>
      %dma_wait3A_214 = tpu.memref_squeeze %dma_wait3A_213 : memref<1x128x32xf32, #tpu.memory_space<vmem>> -> memref<128x32xf32, #tpu.memory_space<vmem>>
      %dma_wait3A_215 = arith.constant 0 : i32
      %dma_wait3A_216 = tpu.memref_slice %arg8[%add3A_209, %dma_wait3A_215] : memref<80x128xi32, #tpu.memory_space<vmem>> -> memref<1x128xi32, #tpu.memory_space<vmem>>
      %dma_wait3A_217 = tpu.memref_squeeze %dma_wait3A_216 : memref<1x128xi32, #tpu.memory_space<vmem>> -> memref<128xi32, #tpu.memory_space<vmem>>
      %dma_wait3A_218 = arith.constant 0 : i32
      %dma_wait3A_219 = arith.constant 0 : i32
      %dma_wait3A_220 = tpu.memref_slice %arg10[%dma_wait3A_218, %dma_wait3A_219] : memref<10240x32xf32, #tpu.memory_space<vmem_shared>> -> memref<10240x32xf32, #tpu.memory_space<vmem_shared>>
      tpu.wait_indirect_dma semaphore(%arg18 : memref<!tpu.dma_semaphore, #tpu.memory_space<semaphore_mem>>) src(%dma_wait3A_214 : memref<128x32xf32, #tpu.memory_space<vmem>>) dst(%dma_wait3A_220 : memref<10240x32xf32, #tpu.memory_space<vmem_shared>>)
      %add3A_221 = arith.constant 2 : i32
      %add3A_222 = arith.addi %mul3A_63, %add3A_221 : i32
      %add3A_223 = arith.constant 4 : i32
      %add3A_224 = arith.addi %add3A_222, %add3A_223 : i32
      %lt3A_225 = arith.constant 80 : i32
      %lt3A_226 = arith.cmpi slt, %add3A_224, %lt3A_225 : i32
      %convert_element_type3A_227 = arith.extui %lt3A_226 : i1 to i32
      %cond3A_228 = arith.constant 0 : i32
      %cond3A_229 = arith.cmpi ne, %convert_element_type3A_227, %cond3A_228 : i32
      scf.if %cond3A_229 {
        %add3A_252 = arith.constant 2 : i32
        %add3A_253 = arith.addi %mul3A_63, %add3A_252 : i32
        %add3A_254 = arith.constant 4 : i32
        %add3A_255 = arith.addi %add3A_253, %add3A_254 : i32
        %dma_start3A_256 = arith.constant 2 : i32
        %dma_start3A_257 = arith.constant 0 : i32
        %dma_start3A_258 = arith.constant 0 : i32
        %dma_start3A_259 = tpu.memref_slice %arg9[%dma_start3A_256, %dma_start3A_257, %dma_start3A_258] : memref<4x128x32xf32, #tpu.memory_space<vmem>> -> memref<1x128x32xf32, #tpu.memory_space<vmem>>
        %dma_start3A_260 = tpu.memref_squeeze %dma_start3A_259 : memref<1x128x32xf32, #tpu.memory_space<vmem>> -> memref<128x32xf32, #tpu.memory_space<vmem>>
        %dma_start3A_261 = arith.constant 0 : i32
        %dma_start3A_262 = tpu.memref_slice %arg7[%add3A_255, %dma_start3A_261] : memref<80x128xi32, #tpu.memory_space<vmem>> -> memref<1x128xi32, #tpu.memory_space<vmem>>
        %dma_start3A_263 = tpu.memref_squeeze %dma_start3A_262 : memref<1x128xi32, #tpu.memory_space<vmem>> -> memref<128xi32, #tpu.memory_space<vmem>>
        %dma_start3A_264 = arith.constant 0 : i32
        %dma_start3A_265 = arith.constant 0 : i32
        %dma_start3A_266 = tpu.memref_slice %arg11[%dma_start3A_264, %dma_start3A_265] : memref<10000x32xf32, #tpu.memory_space<vmem_shared>> -> memref<10000x32xf32, #tpu.memory_space<vmem_shared>>
        tpu.enqueue_indirect_dma source(%dma_start3A_266 : memref<10000x32xf32, #tpu.memory_space<vmem_shared>>) target(%dma_start3A_260 : memref<128x32xf32, #tpu.memory_space<vmem>>) offsets(%dma_start3A_263 : memref<128xi32, #tpu.memory_space<vmem>>) semaphore(%arg14 : memref<!tpu.dma_semaphore, #tpu.memory_space<semaphore_mem>>)
      } else {
      }
      %add3A_230 = arith.constant 3 : i32
      %add3A_231 = arith.addi %mul3A_63, %add3A_230 : i32
      %dma_wait3A_232 = arith.constant 3 : i32
      %dma_wait3A_233 = arith.constant 0 : i32
      %dma_wait3A_234 = arith.constant 0 : i32
      %dma_wait3A_235 = tpu.memref_slice %arg9[%dma_wait3A_232, %dma_wait3A_233, %dma_wait3A_234] : memref<4x128x32xf32, #tpu.memory_space<vmem>> -> memref<1x128x32xf32, #tpu.memory_space<vmem>>
      %dma_wait3A_236 = tpu.memref_squeeze %dma_wait3A_235 : memref<1x128x32xf32, #tpu.memory_space<vmem>> -> memref<128x32xf32, #tpu.memory_space<vmem>>
      %dma_wait3A_237 = arith.constant 0 : i32
      %dma_wait3A_238 = tpu.memref_slice %arg8[%add3A_231, %dma_wait3A_237] : memref<80x128xi32, #tpu.memory_space<vmem>> -> memref<1x128xi32, #tpu.memory_space<vmem>>
      %dma_wait3A_239 = tpu.memref_squeeze %dma_wait3A_238 : memref<1x128xi32, #tpu.memory_space<vmem>> -> memref<128xi32, #tpu.memory_space<vmem>>
      %dma_wait3A_240 = arith.constant 0 : i32
      %dma_wait3A_241 = arith.constant 0 : i32
      %dma_wait3A_242 = tpu.memref_slice %arg10[%dma_wait3A_240, %dma_wait3A_241] : memref<10240x32xf32, #tpu.memory_space<vmem_shared>> -> memref<10240x32xf32, #tpu.memory_space<vmem_shared>>
      tpu.wait_indirect_dma semaphore(%arg19 : memref<!tpu.dma_semaphore, #tpu.memory_space<semaphore_mem>>) src(%dma_wait3A_236 : memref<128x32xf32, #tpu.memory_space<vmem>>) dst(%dma_wait3A_242 : memref<10240x32xf32, #tpu.memory_space<vmem_shared>>)
      %add3A_243 = arith.constant 3 : i32
      %add3A_244 = arith.addi %mul3A_63, %add3A_243 : i32
      %add3A_245 = arith.constant 4 : i32
      %add3A_246 = arith.addi %add3A_244, %add3A_245 : i32
      %lt3A_247 = arith.constant 80 : i32
      %lt3A_248 = arith.cmpi slt, %add3A_246, %lt3A_247 : i32
      %convert_element_type3A_249 = arith.extui %lt3A_248 : i1 to i32
      %cond3A_250 = arith.constant 0 : i32
      %cond3A_251 = arith.cmpi ne, %convert_element_type3A_249, %cond3A_250 : i32
      scf.if %cond3A_251 {
        %add3A_252 = arith.constant 3 : i32
        %add3A_253 = arith.addi %mul3A_63, %add3A_252 : i32
        %add3A_254 = arith.constant 4 : i32
        %add3A_255 = arith.addi %add3A_253, %add3A_254 : i32
        %dma_start3A_256 = arith.constant 3 : i32
        %dma_start3A_257 = arith.constant 0 : i32
        %dma_start3A_258 = arith.constant 0 : i32
        %dma_start3A_259 = tpu.memref_slice %arg9[%dma_start3A_256, %dma_start3A_257, %dma_start3A_258] : memref<4x128x32xf32, #tpu.memory_space<vmem>> -> memref<1x128x32xf32, #tpu.memory_space<vmem>>
        %dma_start3A_260 = tpu.memref_squeeze %dma_start3A_259 : memref<1x128x32xf32, #tpu.memory_space<vmem>> -> memref<128x32xf32, #tpu.memory_space<vmem>>
        %dma_start3A_261 = arith.constant 0 : i32
        %dma_start3A_262 = tpu.memref_slice %arg7[%add3A_255, %dma_start3A_261] : memref<80x128xi32, #tpu.memory_space<vmem>> -> memref<1x128xi32, #tpu.memory_space<vmem>>
        %dma_start3A_263 = tpu.memref_squeeze %dma_start3A_262 : memref<1x128xi32, #tpu.memory_space<vmem>> -> memref<128xi32, #tpu.memory_space<vmem>>
        %dma_start3A_264 = arith.constant 0 : i32
        %dma_start3A_265 = arith.constant 0 : i32
        %dma_start3A_266 = tpu.memref_slice %arg11[%dma_start3A_264, %dma_start3A_265] : memref<10000x32xf32, #tpu.memory_space<vmem_shared>> -> memref<10000x32xf32, #tpu.memory_space<vmem_shared>>
        tpu.enqueue_indirect_dma source(%dma_start3A_266 : memref<10000x32xf32, #tpu.memory_space<vmem_shared>>) target(%dma_start3A_260 : memref<128x32xf32, #tpu.memory_space<vmem>>) offsets(%dma_start3A_263 : memref<128xi32, #tpu.memory_space<vmem>>) semaphore(%arg15 : memref<!tpu.dma_semaphore, #tpu.memory_space<semaphore_mem>>)
      } else {
      }
    }
    %scan3A_55 = arith.constant 20 : i32
    %barrier3A_56 = arith.constant 0 : index
    tpu.barrier barrier_id(%barrier3A_56)
    "tpu.region"() ({
      %run_scoped3A = tpu.sem_alloc : memref<!tpu.dma_semaphore, #tpu.memory_space<semaphore_mem>>
      %dma_start3A_57 = arith.constant 0 : i32
      %dma_start3A_58 = tpu.memref_slice %arg6[%arg0, %mul3A_2, %dma_start3A_57] : memref<2x10240x32xf32, #tpu.memory_space<hbm>> -> memref<1x640x32xf32, #tpu.memory_space<hbm>>
      %dma_start3A_59 = tpu.memref_squeeze %dma_start3A_58 : memref<1x640x32xf32, #tpu.memory_space<hbm>> -> memref<640x32xf32, #tpu.memory_space<hbm>>
      %dma_start3A_60 = arith.constant 0 : i32
      %dma_start3A_61 = tpu.memref_slice %arg10[%mul3A_2, %dma_start3A_60] : memref<10240x32xf32, #tpu.memory_space<vmem_shared>> -> memref<640x32xf32, #tpu.memory_space<vmem_shared>>
      tpu.enqueue_dma source(%dma_start3A_61 : memref<640x32xf32, #tpu.memory_space<vmem_shared>>) target(%dma_start3A_59 : memref<640x32xf32, #tpu.memory_space<hbm>>) target_semaphore(%run_scoped3A : memref<!tpu.dma_semaphore, #tpu.memory_space<semaphore_mem>>)
      %dma_wait3A = arith.constant 0 : i32
      %dma_wait3A_62 = tpu.memref_slice %arg6[%arg0, %mul3A_2, %dma_wait3A] : memref<2x10240x32xf32, #tpu.memory_space<hbm>> -> memref<1x640x32xf32, #tpu.memory_space<hbm>>
      %dma_wait3A_63 = tpu.memref_squeeze %dma_wait3A_62 : memref<1x640x32xf32, #tpu.memory_space<hbm>> -> memref<640x32xf32, #tpu.memory_space<hbm>>
      %dma_wait3A_64 = arith.constant 0 : i32
      %dma_wait3A_65 = tpu.memref_slice %arg10[%mul3A_2, %dma_wait3A_64] : memref<10240x32xf32, #tpu.memory_space<vmem_shared>> -> memref<640x32xf32, #tpu.memory_space<vmem_shared>>
      tpu.wait_dma2 semaphore(%run_scoped3A : memref<!tpu.dma_semaphore, #tpu.memory_space<semaphore_mem>>) src(%dma_wait3A_65 : memref<640x32xf32, #tpu.memory_space<vmem_shared>>) dst(%dma_wait3A_63 : memref<640x32xf32, #tpu.memory_space<hbm>>)
      tpu.yield
    }) : () -> ()
    return
  }
}

#map = affine_map<(d0, d1) -> (0, 0)>
#map1 = affine_map<(d0, d1) -> (0, 0, 0)>
module attributes {stable_mosaic.version = 14 : i64} {
  func.func @_sc_aggregate(%arg0: i32, %arg1: i32, %arg2: memref<10000x32xf32, #tpu.memory_space<hbm>>, %arg3: memref<32x80x128xi32, #tpu.memory_space<hbm>>, %arg4: memref<32x80x128xi32, #tpu.memory_space<hbm>>, %arg5: memref<10240x32xf32, #tpu.memory_space<hbm>>, %arg6: memref<2x10240x32xf32, #tpu.memory_space<hbm>>, %arg7: memref<80x128xi32, #tpu.memory_space<vmem>>, %arg8: memref<80x128xi32, #tpu.memory_space<vmem>>, %arg9: memref<4x128x32xf32, #tpu.memory_space<vmem>>, %arg10: memref<10240x32xf32, #tpu.memory_space<vmem_shared>>, %arg11: memref<10000x32xf32, #tpu.memory_space<vmem_shared>>, %arg12: memref<!tpu.dma_semaphore, #tpu.memory_space<semaphore_mem>>, %arg13: memref<!tpu.dma_semaphore, #tpu.memory_space<semaphore_mem>>, %arg14: memref<!tpu.dma_semaphore, #tpu.memory_space<semaphore_mem>>, %arg15: memref<!tpu.dma_semaphore, #tpu.memory_space<semaphore_mem>>, %arg16: memref<!tpu.dma_semaphore, #tpu.memory_space<semaphore_mem>>, %arg17: memref<!tpu.dma_semaphore, #tpu.memory_space<semaphore_mem>>, %arg18: memref<!tpu.dma_semaphore, #tpu.memory_space<semaphore_mem>>, %arg19: memref<!tpu.dma_semaphore, #tpu.memory_space<semaphore_mem>>) attributes {dimension_semantics = [#tpu.dimension_semantics<core_parallel>, #tpu.dimension_semantics<subcore_parallel>], iteration_bounds = array<i64: 2, 16>, scalar_prefetch = 0 : i64, scratch_operands = 13 : i64, tpu.core_type = #tpu.core_type<sc_vector_subcore>, window_params = [{transform_indices = #map}, {transform_indices = #map1}, {transform_indices = #map1}, {transform_indices = #map}, {transform_indices = #map1}]} {
    %mul3A = arith.constant 2 : i32
    %mul3A_0 = arith.muli %arg1, %mul3A : i32
    %add3A = arith.addi %mul3A_0, %arg0 : i32
    %mul3A_1 = arith.constant 640 : i32
    %mul3A_2 = arith.muli %arg1, %mul3A_1 : i32
    %mul3A_3 = arith.constant 625 : i32
    %mul3A_4 = arith.muli %arg1, %mul3A_3 : i32
    "tpu.region"() ({
      %run_scoped3A = tpu.sem_alloc : memref<!tpu.dma_semaphore, #tpu.memory_space<semaphore_mem>>
      %dma_start3A_57 = arith.constant 0 : i32
      %dma_start3A_58 = tpu.memref_slice %arg11[%mul3A_4, %dma_start3A_57] : memref<10000x32xf32, #tpu.memory_space<vmem_shared>> -> memref<625x32xf32, #tpu.memory_space<vmem_shared>>
      %dma_start3A_59 = arith.constant 0 : i32
      %dma_start3A_60 = tpu.memref_slice %arg2[%mul3A_4, %dma_start3A_59] : memref<10000x32xf32, #tpu.memory_space<hbm>> -> memref<625x32xf32, #tpu.memory_space<hbm>>
      tpu.enqueue_dma source(%dma_start3A_60 : memref<625x32xf32, #tpu.memory_space<hbm>>) target(%dma_start3A_58 : memref<625x32xf32, #tpu.memory_space<vmem_shared>>) target_semaphore(%run_scoped3A : memref<!tpu.dma_semaphore, #tpu.memory_space<semaphore_mem>>)
      %dma_wait3A = arith.constant 0 : i32
      %dma_wait3A_61 = tpu.memref_slice %arg11[%mul3A_4, %dma_wait3A] : memref<10000x32xf32, #tpu.memory_space<vmem_shared>> -> memref<625x32xf32, #tpu.memory_space<vmem_shared>>
      %dma_wait3A_62 = arith.constant 0 : i32
      %dma_wait3A_63 = tpu.memref_slice %arg2[%mul3A_4, %dma_wait3A_62] : memref<10000x32xf32, #tpu.memory_space<hbm>> -> memref<625x32xf32, #tpu.memory_space<hbm>>
      tpu.wait_dma2 semaphore(%run_scoped3A : memref<!tpu.dma_semaphore, #tpu.memory_space<semaphore_mem>>) src(%dma_wait3A_63 : memref<625x32xf32, #tpu.memory_space<hbm>>) dst(%dma_wait3A_61 : memref<625x32xf32, #tpu.memory_space<vmem_shared>>)
      tpu.yield
    }) : () -> ()
    "tpu.region"() ({
      %run_scoped3A = tpu.sem_alloc : memref<!tpu.dma_semaphore, #tpu.memory_space<semaphore_mem>>
      %dma_start3A_57 = arith.constant 0 : i32
      %dma_start3A_58 = tpu.memref_slice %arg10[%mul3A_2, %dma_start3A_57] : memref<10240x32xf32, #tpu.memory_space<vmem_shared>> -> memref<640x32xf32, #tpu.memory_space<vmem_shared>>
      %dma_start3A_59 = arith.constant 0 : i32
      %dma_start3A_60 = tpu.memref_slice %arg5[%mul3A_2, %dma_start3A_59] : memref<10240x32xf32, #tpu.memory_space<hbm>> -> memref<640x32xf32, #tpu.memory_space<hbm>>
      tpu.enqueue_dma source(%dma_start3A_60 : memref<640x32xf32, #tpu.memory_space<hbm>>) target(%dma_start3A_58 : memref<640x32xf32, #tpu.memory_space<vmem_shared>>) target_semaphore(%run_scoped3A : memref<!tpu.dma_semaphore, #tpu.memory_space<semaphore_mem>>)
      %dma_wait3A = arith.constant 0 : i32
      %dma_wait3A_61 = tpu.memref_slice %arg10[%mul3A_2, %dma_wait3A] : memref<10240x32xf32, #tpu.memory_space<vmem_shared>> -> memref<640x32xf32, #tpu.memory_space<vmem_shared>>
      %dma_wait3A_62 = arith.constant 0 : i32
      %dma_wait3A_63 = tpu.memref_slice %arg5[%mul3A_2, %dma_wait3A_62] : memref<10240x32xf32, #tpu.memory_space<hbm>> -> memref<640x32xf32, #tpu.memory_space<hbm>>
      tpu.wait_dma2 semaphore(%run_scoped3A : memref<!tpu.dma_semaphore, #tpu.memory_space<semaphore_mem>>) src(%dma_wait3A_63 : memref<640x32xf32, #tpu.memory_space<hbm>>) dst(%dma_wait3A_61 : memref<640x32xf32, #tpu.memory_space<vmem_shared>>)
      tpu.yield
    }) : () -> ()
    "tpu.region"() ({
      %run_scoped3A = tpu.sem_alloc : memref<!tpu.dma_semaphore, #tpu.memory_space<semaphore_mem>>
      %dma_start3A_57 = arith.constant 0 : i32
      %dma_start3A_58 = arith.constant 0 : i32
      %dma_start3A_59 = tpu.memref_slice %arg3[%add3A, %dma_start3A_57, %dma_start3A_58] : memref<32x80x128xi32, #tpu.memory_space<hbm>> -> memref<1x80x128xi32, #tpu.memory_space<hbm>>
      %dma_start3A_60 = tpu.memref_squeeze %dma_start3A_59 : memref<1x80x128xi32, #tpu.memory_space<hbm>> -> memref<80x128xi32, #tpu.memory_space<hbm>>
      %dma_start3A_61 = arith.constant 0 : i32
      %dma_start3A_62 = arith.constant 0 : i32
      %dma_start3A_63 = tpu.memref_slice %arg3[%add3A, %dma_start3A_61, %dma_start3A_62] : memref<32x80x128xi32, #tpu.memory_space<hbm>> -> memref<1x80x128xi32, #tpu.memory_space<hbm>>
      %dma_start3A_64 = tpu.memref_squeeze %dma_start3A_63 : memref<1x80x128xi32, #tpu.memory_space<hbm>> -> memref<80x128xi32, #tpu.memory_space<hbm>>
      tpu.enqueue_dma source(%dma_start3A_64 : memref<80x128xi32, #tpu.memory_space<hbm>>) target(%arg7 : memref<80x128xi32, #tpu.memory_space<vmem>>) target_semaphore(%run_scoped3A : memref<!tpu.dma_semaphore, #tpu.memory_space<semaphore_mem>>)
      %dma_wait3A = arith.constant 0 : i32
      %dma_wait3A_65 = arith.constant 0 : i32
      %dma_wait3A_66 = tpu.memref_slice %arg3[%add3A, %dma_wait3A, %dma_wait3A_65] : memref<32x80x128xi32, #tpu.memory_space<hbm>> -> memref<1x80x128xi32, #tpu.memory_space<hbm>>
      %dma_wait3A_67 = tpu.memref_squeeze %dma_wait3A_66 : memref<1x80x128xi32, #tpu.memory_space<hbm>> -> memref<80x128xi32, #tpu.memory_space<hbm>>
      %dma_wait3A_68 = arith.constant 0 : i32
      %dma_wait3A_69 = arith.constant 0 : i32
      %dma_wait3A_70 = tpu.memref_slice %arg3[%add3A, %dma_wait3A_68, %dma_wait3A_69] : memref<32x80x128xi32, #tpu.memory_space<hbm>> -> memref<1x80x128xi32, #tpu.memory_space<hbm>>
      %dma_wait3A_71 = tpu.memref_squeeze %dma_wait3A_70 : memref<1x80x128xi32, #tpu.memory_space<hbm>> -> memref<80x128xi32, #tpu.memory_space<hbm>>
      tpu.wait_dma2 semaphore(%run_scoped3A : memref<!tpu.dma_semaphore, #tpu.memory_space<semaphore_mem>>) src(%dma_wait3A_71 : memref<80x128xi32, #tpu.memory_space<hbm>>) dst(%arg7 : memref<80x128xi32, #tpu.memory_space<vmem>>)
      tpu.yield
    }) : () -> ()
    "tpu.region"() ({
      %run_scoped3A = tpu.sem_alloc : memref<!tpu.dma_semaphore, #tpu.memory_space<semaphore_mem>>
      %dma_start3A_57 = arith.constant 0 : i32
      %dma_start3A_58 = arith.constant 0 : i32
      %dma_start3A_59 = tpu.memref_slice %arg4[%add3A, %dma_start3A_57, %dma_start3A_58] : memref<32x80x128xi32, #tpu.memory_space<hbm>> -> memref<1x80x128xi32, #tpu.memory_space<hbm>>
      %dma_start3A_60 = tpu.memref_squeeze %dma_start3A_59 : memref<1x80x128xi32, #tpu.memory_space<hbm>> -> memref<80x128xi32, #tpu.memory_space<hbm>>
      %dma_start3A_61 = arith.constant 0 : i32
      %dma_start3A_62 = arith.constant 0 : i32
      %dma_start3A_63 = tpu.memref_slice %arg4[%add3A, %dma_start3A_61, %dma_start3A_62] : memref<32x80x128xi32, #tpu.memory_space<hbm>> -> memref<1x80x128xi32, #tpu.memory_space<hbm>>
      %dma_start3A_64 = tpu.memref_squeeze %dma_start3A_63 : memref<1x80x128xi32, #tpu.memory_space<hbm>> -> memref<80x128xi32, #tpu.memory_space<hbm>>
      tpu.enqueue_dma source(%dma_start3A_64 : memref<80x128xi32, #tpu.memory_space<hbm>>) target(%arg8 : memref<80x128xi32, #tpu.memory_space<vmem>>) target_semaphore(%run_scoped3A : memref<!tpu.dma_semaphore, #tpu.memory_space<semaphore_mem>>)
      %dma_wait3A = arith.constant 0 : i32
      %dma_wait3A_65 = arith.constant 0 : i32
      %dma_wait3A_66 = tpu.memref_slice %arg4[%add3A, %dma_wait3A, %dma_wait3A_65] : memref<32x80x128xi32, #tpu.memory_space<hbm>> -> memref<1x80x128xi32, #tpu.memory_space<hbm>>
      %dma_wait3A_67 = tpu.memref_squeeze %dma_wait3A_66 : memref<1x80x128xi32, #tpu.memory_space<hbm>> -> memref<80x128xi32, #tpu.memory_space<hbm>>
      %dma_wait3A_68 = arith.constant 0 : i32
      %dma_wait3A_69 = arith.constant 0 : i32
      %dma_wait3A_70 = tpu.memref_slice %arg4[%add3A, %dma_wait3A_68, %dma_wait3A_69] : memref<32x80x128xi32, #tpu.memory_space<hbm>> -> memref<1x80x128xi32, #tpu.memory_space<hbm>>
      %dma_wait3A_71 = tpu.memref_squeeze %dma_wait3A_70 : memref<1x80x128xi32, #tpu.memory_space<hbm>> -> memref<80x128xi32, #tpu.memory_space<hbm>>
      tpu.wait_dma2 semaphore(%run_scoped3A : memref<!tpu.dma_semaphore, #tpu.memory_space<semaphore_mem>>) src(%dma_wait3A_71 : memref<80x128xi32, #tpu.memory_space<hbm>>) dst(%arg8 : memref<80x128xi32, #tpu.memory_space<vmem>>)
      tpu.yield
    }) : () -> ()
    %barrier3A = arith.constant 0 : index
    tpu.barrier barrier_id(%barrier3A)
    %dma_start3A = arith.constant 0 : i32
    %dma_start3A_5 = arith.constant 0 : i32
    %dma_start3A_6 = arith.constant 0 : i32
    %dma_start3A_7 = arith.constant 0 : i32
    %dma_start3A_8 = tpu.memref_slice %arg9[%dma_start3A_5, %dma_start3A_6, %dma_start3A_7] : memref<4x128x32xf32, #tpu.memory_space<vmem>> -> memref<1x128x32xf32, #tpu.memory_space<vmem>>
    %dma_start3A_9 = tpu.memref_squeeze %dma_start3A_8 : memref<1x128x32xf32, #tpu.memory_space<vmem>> -> memref<128x32xf32, #tpu.memory_space<vmem>>
    %dma_start3A_10 = arith.constant 0 : i32
    %dma_start3A_11 = tpu.memref_slice %arg7[%dma_start3A, %dma_start3A_10] : memref<80x128xi32, #tpu.memory_space<vmem>> -> memref<1x128xi32, #tpu.memory_space<vmem>>
    %dma_start3A_12 = tpu.memref_squeeze %dma_start3A_11 : memref<1x128xi32, #tpu.memory_space<vmem>> -> memref<128xi32, #tpu.memory_space<vmem>>
    %dma_start3A_13 = arith.constant 0 : i32
    %dma_start3A_14 = arith.constant 0 : i32
    %dma_start3A_15 = tpu.memref_slice %arg11[%dma_start3A_13, %dma_start3A_14] : memref<10000x32xf32, #tpu.memory_space<vmem_shared>> -> memref<10000x32xf32, #tpu.memory_space<vmem_shared>>
    tpu.enqueue_indirect_dma source(%dma_start3A_15 : memref<10000x32xf32, #tpu.memory_space<vmem_shared>>) target(%dma_start3A_9 : memref<128x32xf32, #tpu.memory_space<vmem>>) offsets(%dma_start3A_12 : memref<128xi32, #tpu.memory_space<vmem>>) semaphore(%arg12 : memref<!tpu.dma_semaphore, #tpu.memory_space<semaphore_mem>>)
    %dma_start3A_16 = arith.constant 1 : i32
    %dma_start3A_17 = arith.constant 1 : i32
    %dma_start3A_18 = arith.constant 0 : i32
    %dma_start3A_19 = arith.constant 0 : i32
    %dma_start3A_20 = tpu.memref_slice %arg9[%dma_start3A_17, %dma_start3A_18, %dma_start3A_19] : memref<4x128x32xf32, #tpu.memory_space<vmem>> -> memref<1x128x32xf32, #tpu.memory_space<vmem>>
    %dma_start3A_21 = tpu.memref_squeeze %dma_start3A_20 : memref<1x128x32xf32, #tpu.memory_space<vmem>> -> memref<128x32xf32, #tpu.memory_space<vmem>>
    %dma_start3A_22 = arith.constant 0 : i32
    %dma_start3A_23 = tpu.memref_slice %arg7[%dma_start3A_16, %dma_start3A_22] : memref<80x128xi32, #tpu.memory_space<vmem>> -> memref<1x128xi32, #tpu.memory_space<vmem>>
    %dma_start3A_24 = tpu.memref_squeeze %dma_start3A_23 : memref<1x128xi32, #tpu.memory_space<vmem>> -> memref<128xi32, #tpu.memory_space<vmem>>
    %dma_start3A_25 = arith.constant 0 : i32
    %dma_start3A_26 = arith.constant 0 : i32
    %dma_start3A_27 = tpu.memref_slice %arg11[%dma_start3A_25, %dma_start3A_26] : memref<10000x32xf32, #tpu.memory_space<vmem_shared>> -> memref<10000x32xf32, #tpu.memory_space<vmem_shared>>
    tpu.enqueue_indirect_dma source(%dma_start3A_27 : memref<10000x32xf32, #tpu.memory_space<vmem_shared>>) target(%dma_start3A_21 : memref<128x32xf32, #tpu.memory_space<vmem>>) offsets(%dma_start3A_24 : memref<128xi32, #tpu.memory_space<vmem>>) semaphore(%arg13 : memref<!tpu.dma_semaphore, #tpu.memory_space<semaphore_mem>>)
    %dma_start3A_28 = arith.constant 2 : i32
    %dma_start3A_29 = arith.constant 2 : i32
    %dma_start3A_30 = arith.constant 0 : i32
    %dma_start3A_31 = arith.constant 0 : i32
    %dma_start3A_32 = tpu.memref_slice %arg9[%dma_start3A_29, %dma_start3A_30, %dma_start3A_31] : memref<4x128x32xf32, #tpu.memory_space<vmem>> -> memref<1x128x32xf32, #tpu.memory_space<vmem>>
    %dma_start3A_33 = tpu.memref_squeeze %dma_start3A_32 : memref<1x128x32xf32, #tpu.memory_space<vmem>> -> memref<128x32xf32, #tpu.memory_space<vmem>>
    %dma_start3A_34 = arith.constant 0 : i32
    %dma_start3A_35 = tpu.memref_slice %arg7[%dma_start3A_28, %dma_start3A_34] : memref<80x128xi32, #tpu.memory_space<vmem>> -> memref<1x128xi32, #tpu.memory_space<vmem>>
    %dma_start3A_36 = tpu.memref_squeeze %dma_start3A_35 : memref<1x128xi32, #tpu.memory_space<vmem>> -> memref<128xi32, #tpu.memory_space<vmem>>
    %dma_start3A_37 = arith.constant 0 : i32
    %dma_start3A_38 = arith.constant 0 : i32
    %dma_start3A_39 = tpu.memref_slice %arg11[%dma_start3A_37, %dma_start3A_38] : memref<10000x32xf32, #tpu.memory_space<vmem_shared>> -> memref<10000x32xf32, #tpu.memory_space<vmem_shared>>
    tpu.enqueue_indirect_dma source(%dma_start3A_39 : memref<10000x32xf32, #tpu.memory_space<vmem_shared>>) target(%dma_start3A_33 : memref<128x32xf32, #tpu.memory_space<vmem>>) offsets(%dma_start3A_36 : memref<128xi32, #tpu.memory_space<vmem>>) semaphore(%arg14 : memref<!tpu.dma_semaphore, #tpu.memory_space<semaphore_mem>>)
    %dma_start3A_40 = arith.constant 3 : i32
    %dma_start3A_41 = arith.constant 3 : i32
    %dma_start3A_42 = arith.constant 0 : i32
    %dma_start3A_43 = arith.constant 0 : i32
    %dma_start3A_44 = tpu.memref_slice %arg9[%dma_start3A_41, %dma_start3A_42, %dma_start3A_43] : memref<4x128x32xf32, #tpu.memory_space<vmem>> -> memref<1x128x32xf32, #tpu.memory_space<vmem>>
    %dma_start3A_45 = tpu.memref_squeeze %dma_start3A_44 : memref<1x128x32xf32, #tpu.memory_space<vmem>> -> memref<128x32xf32, #tpu.memory_space<vmem>>
    %dma_start3A_46 = arith.constant 0 : i32
    %dma_start3A_47 = tpu.memref_slice %arg7[%dma_start3A_40, %dma_start3A_46] : memref<80x128xi32, #tpu.memory_space<vmem>> -> memref<1x128xi32, #tpu.memory_space<vmem>>
    %dma_start3A_48 = tpu.memref_squeeze %dma_start3A_47 : memref<1x128xi32, #tpu.memory_space<vmem>> -> memref<128xi32, #tpu.memory_space<vmem>>
    %dma_start3A_49 = arith.constant 0 : i32
    %dma_start3A_50 = arith.constant 0 : i32
    %dma_start3A_51 = tpu.memref_slice %arg11[%dma_start3A_49, %dma_start3A_50] : memref<10000x32xf32, #tpu.memory_space<vmem_shared>> -> memref<10000x32xf32, #tpu.memory_space<vmem_shared>>
    tpu.enqueue_indirect_dma source(%dma_start3A_51 : memref<10000x32xf32, #tpu.memory_space<vmem_shared>>) target(%dma_start3A_45 : memref<128x32xf32, #tpu.memory_space<vmem>>) offsets(%dma_start3A_48 : memref<128xi32, #tpu.memory_space<vmem>>) semaphore(%arg15 : memref<!tpu.dma_semaphore, #tpu.memory_space<semaphore_mem>>)
    %scan3A = arith.constant 0 : i32
    %scan3A_52 = arith.constant 20 : i32
    %scan3A_53 = arith.addi %scan3A, %scan3A_52 : i32
    %scan3A_54 = arith.constant 1 : i32
    scf.for %scan3A_57 = %scan3A to %scan3A_53 step %scan3A_54  : i32 {
      %mul3A_58 = arith.constant 1 : i32
      %mul3A_59 = arith.muli %scan3A_57, %mul3A_58 : i32
      %add3A_60 = arith.constant 0 : i32
      %add3A_61 = arith.addi %add3A_60, %mul3A_59 : i32
      %mul3A_62 = arith.constant 4 : i32
      %mul3A_63 = arith.muli %add3A_61, %mul3A_62 : i32
      %add3A_64 = arith.constant 0 : i32
      %add3A_65 = arith.addi %mul3A_63, %add3A_64 : i32
      %dma_wait3A = arith.constant 0 : i32
      %dma_wait3A_66 = arith.constant 0 : i32
      %dma_wait3A_67 = arith.constant 0 : i32
      %dma_wait3A_68 = tpu.memref_slice %arg9[%dma_wait3A, %dma_wait3A_66, %dma_wait3A_67] : memref<4x128x32xf32, #tpu.memory_space<vmem>> -> memref<1x128x32xf32, #tpu.memory_space<vmem>>
      %dma_wait3A_69 = tpu.memref_squeeze %dma_wait3A_68 : memref<1x128x32xf32, #tpu.memory_space<vmem>> -> memref<128x32xf32, #tpu.memory_space<vmem>>
      %dma_wait3A_70 = arith.constant 0 : i32
      %dma_wait3A_71 = tpu.memref_slice %arg7[%add3A_65, %dma_wait3A_70] : memref<80x128xi32, #tpu.memory_space<vmem>> -> memref<1x128xi32, #tpu.memory_space<vmem>>
      %dma_wait3A_72 = tpu.memref_squeeze %dma_wait3A_71 : memref<1x128xi32, #tpu.memory_space<vmem>> -> memref<128xi32, #tpu.memory_space<vmem>>
      %dma_wait3A_73 = arith.constant 0 : i32
      %dma_wait3A_74 = arith.constant 0 : i32
      %dma_wait3A_75 = tpu.memref_slice %arg11[%dma_wait3A_73, %dma_wait3A_74] : memref<10000x32xf32, #tpu.memory_space<vmem_shared>> -> memref<10000x32xf32, #tpu.memory_space<vmem_shared>>
      tpu.wait_indirect_dma semaphore(%arg12 : memref<!tpu.dma_semaphore, #tpu.memory_space<semaphore_mem>>) src(%dma_wait3A_75 : memref<10000x32xf32, #tpu.memory_space<vmem_shared>>) dst(%dma_wait3A_69 : memref<128x32xf32, #tpu.memory_space<vmem>>)
      %add3A_76 = arith.constant 0 : i32
      %add3A_77 = arith.addi %mul3A_63, %add3A_76 : i32
      %dma_start3A_78 = arith.constant 0 : i32
      %dma_start3A_79 = arith.constant 0 : i32
      %dma_start3A_80 = arith.constant 0 : i32
      %dma_start3A_81 = tpu.memref_slice %arg9[%dma_start3A_78, %dma_start3A_79, %dma_start3A_80] : memref<4x128x32xf32, #tpu.memory_space<vmem>> -> memref<1x128x32xf32, #tpu.memory_space<vmem>>
      %dma_start3A_82 = tpu.memref_squeeze %dma_start3A_81 : memref<1x128x32xf32, #tpu.memory_space<vmem>> -> memref<128x32xf32, #tpu.memory_space<vmem>>
      %dma_start3A_83 = arith.constant 0 : i32
      %dma_start3A_84 = tpu.memref_slice %arg8[%add3A_77, %dma_start3A_83] : memref<80x128xi32, #tpu.memory_space<vmem>> -> memref<1x128xi32, #tpu.memory_space<vmem>>
      %dma_start3A_85 = tpu.memref_squeeze %dma_start3A_84 : memref<1x128xi32, #tpu.memory_space<vmem>> -> memref<128xi32, #tpu.memory_space<vmem>>
      %dma_start3A_86 = arith.constant 0 : i32
      %dma_start3A_87 = arith.constant 0 : i32
      %dma_start3A_88 = tpu.memref_slice %arg10[%dma_start3A_86, %dma_start3A_87] : memref<10240x32xf32, #tpu.memory_space<vmem_shared>> -> memref<10240x32xf32, #tpu.memory_space<vmem_shared>>
      tpu.enqueue_indirect_dma source(%dma_start3A_82 : memref<128x32xf32, #tpu.memory_space<vmem>>) target(%dma_start3A_88 : memref<10240x32xf32, #tpu.memory_space<vmem_shared>>) offsets(%dma_start3A_85 : memref<128xi32, #tpu.memory_space<vmem>>) semaphore(%arg16 : memref<!tpu.dma_semaphore, #tpu.memory_space<semaphore_mem>>) {add = true}
      %add3A_89 = arith.constant 1 : i32
      %add3A_90 = arith.addi %mul3A_63, %add3A_89 : i32
      %dma_wait3A_91 = arith.constant 1 : i32
      %dma_wait3A_92 = arith.constant 0 : i32
      %dma_wait3A_93 = arith.constant 0 : i32
      %dma_wait3A_94 = tpu.memref_slice %arg9[%dma_wait3A_91, %dma_wait3A_92, %dma_wait3A_93] : memref<4x128x32xf32, #tpu.memory_space<vmem>> -> memref<1x128x32xf32, #tpu.memory_space<vmem>>
      %dma_wait3A_95 = tpu.memref_squeeze %dma_wait3A_94 : memref<1x128x32xf32, #tpu.memory_space<vmem>> -> memref<128x32xf32, #tpu.memory_space<vmem>>
      %dma_wait3A_96 = arith.constant 0 : i32
      %dma_wait3A_97 = tpu.memref_slice %arg7[%add3A_90, %dma_wait3A_96] : memref<80x128xi32, #tpu.memory_space<vmem>> -> memref<1x128xi32, #tpu.memory_space<vmem>>
      %dma_wait3A_98 = tpu.memref_squeeze %dma_wait3A_97 : memref<1x128xi32, #tpu.memory_space<vmem>> -> memref<128xi32, #tpu.memory_space<vmem>>
      %dma_wait3A_99 = arith.constant 0 : i32
      %dma_wait3A_100 = arith.constant 0 : i32
      %dma_wait3A_101 = tpu.memref_slice %arg11[%dma_wait3A_99, %dma_wait3A_100] : memref<10000x32xf32, #tpu.memory_space<vmem_shared>> -> memref<10000x32xf32, #tpu.memory_space<vmem_shared>>
      tpu.wait_indirect_dma semaphore(%arg13 : memref<!tpu.dma_semaphore, #tpu.memory_space<semaphore_mem>>) src(%dma_wait3A_101 : memref<10000x32xf32, #tpu.memory_space<vmem_shared>>) dst(%dma_wait3A_95 : memref<128x32xf32, #tpu.memory_space<vmem>>)
      %add3A_102 = arith.constant 1 : i32
      %add3A_103 = arith.addi %mul3A_63, %add3A_102 : i32
      %dma_start3A_104 = arith.constant 1 : i32
      %dma_start3A_105 = arith.constant 0 : i32
      %dma_start3A_106 = arith.constant 0 : i32
      %dma_start3A_107 = tpu.memref_slice %arg9[%dma_start3A_104, %dma_start3A_105, %dma_start3A_106] : memref<4x128x32xf32, #tpu.memory_space<vmem>> -> memref<1x128x32xf32, #tpu.memory_space<vmem>>
      %dma_start3A_108 = tpu.memref_squeeze %dma_start3A_107 : memref<1x128x32xf32, #tpu.memory_space<vmem>> -> memref<128x32xf32, #tpu.memory_space<vmem>>
      %dma_start3A_109 = arith.constant 0 : i32
      %dma_start3A_110 = tpu.memref_slice %arg8[%add3A_103, %dma_start3A_109] : memref<80x128xi32, #tpu.memory_space<vmem>> -> memref<1x128xi32, #tpu.memory_space<vmem>>
      %dma_start3A_111 = tpu.memref_squeeze %dma_start3A_110 : memref<1x128xi32, #tpu.memory_space<vmem>> -> memref<128xi32, #tpu.memory_space<vmem>>
      %dma_start3A_112 = arith.constant 0 : i32
      %dma_start3A_113 = arith.constant 0 : i32
      %dma_start3A_114 = tpu.memref_slice %arg10[%dma_start3A_112, %dma_start3A_113] : memref<10240x32xf32, #tpu.memory_space<vmem_shared>> -> memref<10240x32xf32, #tpu.memory_space<vmem_shared>>
      tpu.enqueue_indirect_dma source(%dma_start3A_108 : memref<128x32xf32, #tpu.memory_space<vmem>>) target(%dma_start3A_114 : memref<10240x32xf32, #tpu.memory_space<vmem_shared>>) offsets(%dma_start3A_111 : memref<128xi32, #tpu.memory_space<vmem>>) semaphore(%arg17 : memref<!tpu.dma_semaphore, #tpu.memory_space<semaphore_mem>>) {add = true}
      %add3A_115 = arith.constant 2 : i32
      %add3A_116 = arith.addi %mul3A_63, %add3A_115 : i32
      %dma_wait3A_117 = arith.constant 2 : i32
      %dma_wait3A_118 = arith.constant 0 : i32
      %dma_wait3A_119 = arith.constant 0 : i32
      %dma_wait3A_120 = tpu.memref_slice %arg9[%dma_wait3A_117, %dma_wait3A_118, %dma_wait3A_119] : memref<4x128x32xf32, #tpu.memory_space<vmem>> -> memref<1x128x32xf32, #tpu.memory_space<vmem>>
      %dma_wait3A_121 = tpu.memref_squeeze %dma_wait3A_120 : memref<1x128x32xf32, #tpu.memory_space<vmem>> -> memref<128x32xf32, #tpu.memory_space<vmem>>
      %dma_wait3A_122 = arith.constant 0 : i32
      %dma_wait3A_123 = tpu.memref_slice %arg7[%add3A_116, %dma_wait3A_122] : memref<80x128xi32, #tpu.memory_space<vmem>> -> memref<1x128xi32, #tpu.memory_space<vmem>>
      %dma_wait3A_124 = tpu.memref_squeeze %dma_wait3A_123 : memref<1x128xi32, #tpu.memory_space<vmem>> -> memref<128xi32, #tpu.memory_space<vmem>>
      %dma_wait3A_125 = arith.constant 0 : i32
      %dma_wait3A_126 = arith.constant 0 : i32
      %dma_wait3A_127 = tpu.memref_slice %arg11[%dma_wait3A_125, %dma_wait3A_126] : memref<10000x32xf32, #tpu.memory_space<vmem_shared>> -> memref<10000x32xf32, #tpu.memory_space<vmem_shared>>
      tpu.wait_indirect_dma semaphore(%arg14 : memref<!tpu.dma_semaphore, #tpu.memory_space<semaphore_mem>>) src(%dma_wait3A_127 : memref<10000x32xf32, #tpu.memory_space<vmem_shared>>) dst(%dma_wait3A_121 : memref<128x32xf32, #tpu.memory_space<vmem>>)
      %add3A_128 = arith.constant 2 : i32
      %add3A_129 = arith.addi %mul3A_63, %add3A_128 : i32
      %dma_start3A_130 = arith.constant 2 : i32
      %dma_start3A_131 = arith.constant 0 : i32
      %dma_start3A_132 = arith.constant 0 : i32
      %dma_start3A_133 = tpu.memref_slice %arg9[%dma_start3A_130, %dma_start3A_131, %dma_start3A_132] : memref<4x128x32xf32, #tpu.memory_space<vmem>> -> memref<1x128x32xf32, #tpu.memory_space<vmem>>
      %dma_start3A_134 = tpu.memref_squeeze %dma_start3A_133 : memref<1x128x32xf32, #tpu.memory_space<vmem>> -> memref<128x32xf32, #tpu.memory_space<vmem>>
      %dma_start3A_135 = arith.constant 0 : i32
      %dma_start3A_136 = tpu.memref_slice %arg8[%add3A_129, %dma_start3A_135] : memref<80x128xi32, #tpu.memory_space<vmem>> -> memref<1x128xi32, #tpu.memory_space<vmem>>
      %dma_start3A_137 = tpu.memref_squeeze %dma_start3A_136 : memref<1x128xi32, #tpu.memory_space<vmem>> -> memref<128xi32, #tpu.memory_space<vmem>>
      %dma_start3A_138 = arith.constant 0 : i32
      %dma_start3A_139 = arith.constant 0 : i32
      %dma_start3A_140 = tpu.memref_slice %arg10[%dma_start3A_138, %dma_start3A_139] : memref<10240x32xf32, #tpu.memory_space<vmem_shared>> -> memref<10240x32xf32, #tpu.memory_space<vmem_shared>>
      tpu.enqueue_indirect_dma source(%dma_start3A_134 : memref<128x32xf32, #tpu.memory_space<vmem>>) target(%dma_start3A_140 : memref<10240x32xf32, #tpu.memory_space<vmem_shared>>) offsets(%dma_start3A_137 : memref<128xi32, #tpu.memory_space<vmem>>) semaphore(%arg18 : memref<!tpu.dma_semaphore, #tpu.memory_space<semaphore_mem>>) {add = true}
      %add3A_141 = arith.constant 3 : i32
      %add3A_142 = arith.addi %mul3A_63, %add3A_141 : i32
      %dma_wait3A_143 = arith.constant 3 : i32
      %dma_wait3A_144 = arith.constant 0 : i32
      %dma_wait3A_145 = arith.constant 0 : i32
      %dma_wait3A_146 = tpu.memref_slice %arg9[%dma_wait3A_143, %dma_wait3A_144, %dma_wait3A_145] : memref<4x128x32xf32, #tpu.memory_space<vmem>> -> memref<1x128x32xf32, #tpu.memory_space<vmem>>
      %dma_wait3A_147 = tpu.memref_squeeze %dma_wait3A_146 : memref<1x128x32xf32, #tpu.memory_space<vmem>> -> memref<128x32xf32, #tpu.memory_space<vmem>>
      %dma_wait3A_148 = arith.constant 0 : i32
      %dma_wait3A_149 = tpu.memref_slice %arg7[%add3A_142, %dma_wait3A_148] : memref<80x128xi32, #tpu.memory_space<vmem>> -> memref<1x128xi32, #tpu.memory_space<vmem>>
      %dma_wait3A_150 = tpu.memref_squeeze %dma_wait3A_149 : memref<1x128xi32, #tpu.memory_space<vmem>> -> memref<128xi32, #tpu.memory_space<vmem>>
      %dma_wait3A_151 = arith.constant 0 : i32
      %dma_wait3A_152 = arith.constant 0 : i32
      %dma_wait3A_153 = tpu.memref_slice %arg11[%dma_wait3A_151, %dma_wait3A_152] : memref<10000x32xf32, #tpu.memory_space<vmem_shared>> -> memref<10000x32xf32, #tpu.memory_space<vmem_shared>>
      tpu.wait_indirect_dma semaphore(%arg15 : memref<!tpu.dma_semaphore, #tpu.memory_space<semaphore_mem>>) src(%dma_wait3A_153 : memref<10000x32xf32, #tpu.memory_space<vmem_shared>>) dst(%dma_wait3A_147 : memref<128x32xf32, #tpu.memory_space<vmem>>)
      %add3A_154 = arith.constant 3 : i32
      %add3A_155 = arith.addi %mul3A_63, %add3A_154 : i32
      %dma_start3A_156 = arith.constant 3 : i32
      %dma_start3A_157 = arith.constant 0 : i32
      %dma_start3A_158 = arith.constant 0 : i32
      %dma_start3A_159 = tpu.memref_slice %arg9[%dma_start3A_156, %dma_start3A_157, %dma_start3A_158] : memref<4x128x32xf32, #tpu.memory_space<vmem>> -> memref<1x128x32xf32, #tpu.memory_space<vmem>>
      %dma_start3A_160 = tpu.memref_squeeze %dma_start3A_159 : memref<1x128x32xf32, #tpu.memory_space<vmem>> -> memref<128x32xf32, #tpu.memory_space<vmem>>
      %dma_start3A_161 = arith.constant 0 : i32
      %dma_start3A_162 = tpu.memref_slice %arg8[%add3A_155, %dma_start3A_161] : memref<80x128xi32, #tpu.memory_space<vmem>> -> memref<1x128xi32, #tpu.memory_space<vmem>>
      %dma_start3A_163 = tpu.memref_squeeze %dma_start3A_162 : memref<1x128xi32, #tpu.memory_space<vmem>> -> memref<128xi32, #tpu.memory_space<vmem>>
      %dma_start3A_164 = arith.constant 0 : i32
      %dma_start3A_165 = arith.constant 0 : i32
      %dma_start3A_166 = tpu.memref_slice %arg10[%dma_start3A_164, %dma_start3A_165] : memref<10240x32xf32, #tpu.memory_space<vmem_shared>> -> memref<10240x32xf32, #tpu.memory_space<vmem_shared>>
      tpu.enqueue_indirect_dma source(%dma_start3A_160 : memref<128x32xf32, #tpu.memory_space<vmem>>) target(%dma_start3A_166 : memref<10240x32xf32, #tpu.memory_space<vmem_shared>>) offsets(%dma_start3A_163 : memref<128xi32, #tpu.memory_space<vmem>>) semaphore(%arg19 : memref<!tpu.dma_semaphore, #tpu.memory_space<semaphore_mem>>) {add = true}
      %add3A_167 = arith.constant 0 : i32
      %add3A_168 = arith.addi %mul3A_63, %add3A_167 : i32
      %dma_wait3A_169 = arith.constant 0 : i32
      %dma_wait3A_170 = arith.constant 0 : i32
      %dma_wait3A_171 = arith.constant 0 : i32
      %dma_wait3A_172 = tpu.memref_slice %arg9[%dma_wait3A_169, %dma_wait3A_170, %dma_wait3A_171] : memref<4x128x32xf32, #tpu.memory_space<vmem>> -> memref<1x128x32xf32, #tpu.memory_space<vmem>>
      %dma_wait3A_173 = tpu.memref_squeeze %dma_wait3A_172 : memref<1x128x32xf32, #tpu.memory_space<vmem>> -> memref<128x32xf32, #tpu.memory_space<vmem>>
      %dma_wait3A_174 = arith.constant 0 : i32
      %dma_wait3A_175 = tpu.memref_slice %arg8[%add3A_168, %dma_wait3A_174] : memref<80x128xi32, #tpu.memory_space<vmem>> -> memref<1x128xi32, #tpu.memory_space<vmem>>
      %dma_wait3A_176 = tpu.memref_squeeze %dma_wait3A_175 : memref<1x128xi32, #tpu.memory_space<vmem>> -> memref<128xi32, #tpu.memory_space<vmem>>
      %dma_wait3A_177 = arith.constant 0 : i32
      %dma_wait3A_178 = arith.constant 0 : i32
      %dma_wait3A_179 = tpu.memref_slice %arg10[%dma_wait3A_177, %dma_wait3A_178] : memref<10240x32xf32, #tpu.memory_space<vmem_shared>> -> memref<10240x32xf32, #tpu.memory_space<vmem_shared>>
      tpu.wait_indirect_dma semaphore(%arg16 : memref<!tpu.dma_semaphore, #tpu.memory_space<semaphore_mem>>) src(%dma_wait3A_173 : memref<128x32xf32, #tpu.memory_space<vmem>>) dst(%dma_wait3A_179 : memref<10240x32xf32, #tpu.memory_space<vmem_shared>>)
      %add3A_180 = arith.constant 0 : i32
      %add3A_181 = arith.addi %mul3A_63, %add3A_180 : i32
      %add3A_182 = arith.constant 4 : i32
      %add3A_183 = arith.addi %add3A_181, %add3A_182 : i32
      %lt3A = arith.constant 80 : i32
      %lt3A_184 = arith.cmpi slt, %add3A_183, %lt3A : i32
      %convert_element_type3A = arith.extui %lt3A_184 : i1 to i32
      %cond3A = arith.constant 0 : i32
      %cond3A_185 = arith.cmpi ne, %convert_element_type3A, %cond3A : i32
      scf.if %cond3A_185 {
        %add3A_252 = arith.constant 0 : i32
        %add3A_253 = arith.addi %mul3A_63, %add3A_252 : i32
        %add3A_254 = arith.constant 4 : i32
        %add3A_255 = arith.addi %add3A_253, %add3A_254 : i32
        %dma_start3A_256 = arith.constant 0 : i32
        %dma_start3A_257 = arith.constant 0 : i32
        %dma_start3A_258 = arith.constant 0 : i32
        %dma_start3A_259 = tpu.memref_slice %arg9[%dma_start3A_256, %dma_start3A_257, %dma_start3A_258] : memref<4x128x32xf32, #tpu.memory_space<vmem>> -> memref<1x128x32xf32, #tpu.memory_space<vmem>>
        %dma_start3A_260 = tpu.memref_squeeze %dma_start3A_259 : memref<1x128x32xf32, #tpu.memory_space<vmem>> -> memref<128x32xf32, #tpu.memory_space<vmem>>
        %dma_start3A_261 = arith.constant 0 : i32
        %dma_start3A_262 = tpu.memref_slice %arg7[%add3A_255, %dma_start3A_261] : memref<80x128xi32, #tpu.memory_space<vmem>> -> memref<1x128xi32, #tpu.memory_space<vmem>>
        %dma_start3A_263 = tpu.memref_squeeze %dma_start3A_262 : memref<1x128xi32, #tpu.memory_space<vmem>> -> memref<128xi32, #tpu.memory_space<vmem>>
        %dma_start3A_264 = arith.constant 0 : i32
        %dma_start3A_265 = arith.constant 0 : i32
        %dma_start3A_266 = tpu.memref_slice %arg11[%dma_start3A_264, %dma_start3A_265] : memref<10000x32xf32, #tpu.memory_space<vmem_shared>> -> memref<10000x32xf32, #tpu.memory_space<vmem_shared>>
        tpu.enqueue_indirect_dma source(%dma_start3A_266 : memref<10000x32xf32, #tpu.memory_space<vmem_shared>>) target(%dma_start3A_260 : memref<128x32xf32, #tpu.memory_space<vmem>>) offsets(%dma_start3A_263 : memref<128xi32, #tpu.memory_space<vmem>>) semaphore(%arg12 : memref<!tpu.dma_semaphore, #tpu.memory_space<semaphore_mem>>)
      } else {
      }
      %add3A_186 = arith.constant 1 : i32
      %add3A_187 = arith.addi %mul3A_63, %add3A_186 : i32
      %dma_wait3A_188 = arith.constant 1 : i32
      %dma_wait3A_189 = arith.constant 0 : i32
      %dma_wait3A_190 = arith.constant 0 : i32
      %dma_wait3A_191 = tpu.memref_slice %arg9[%dma_wait3A_188, %dma_wait3A_189, %dma_wait3A_190] : memref<4x128x32xf32, #tpu.memory_space<vmem>> -> memref<1x128x32xf32, #tpu.memory_space<vmem>>
      %dma_wait3A_192 = tpu.memref_squeeze %dma_wait3A_191 : memref<1x128x32xf32, #tpu.memory_space<vmem>> -> memref<128x32xf32, #tpu.memory_space<vmem>>
      %dma_wait3A_193 = arith.constant 0 : i32
      %dma_wait3A_194 = tpu.memref_slice %arg8[%add3A_187, %dma_wait3A_193] : memref<80x128xi32, #tpu.memory_space<vmem>> -> memref<1x128xi32, #tpu.memory_space<vmem>>
      %dma_wait3A_195 = tpu.memref_squeeze %dma_wait3A_194 : memref<1x128xi32, #tpu.memory_space<vmem>> -> memref<128xi32, #tpu.memory_space<vmem>>
      %dma_wait3A_196 = arith.constant 0 : i32
      %dma_wait3A_197 = arith.constant 0 : i32
      %dma_wait3A_198 = tpu.memref_slice %arg10[%dma_wait3A_196, %dma_wait3A_197] : memref<10240x32xf32, #tpu.memory_space<vmem_shared>> -> memref<10240x32xf32, #tpu.memory_space<vmem_shared>>
      tpu.wait_indirect_dma semaphore(%arg17 : memref<!tpu.dma_semaphore, #tpu.memory_space<semaphore_mem>>) src(%dma_wait3A_192 : memref<128x32xf32, #tpu.memory_space<vmem>>) dst(%dma_wait3A_198 : memref<10240x32xf32, #tpu.memory_space<vmem_shared>>)
      %add3A_199 = arith.constant 1 : i32
      %add3A_200 = arith.addi %mul3A_63, %add3A_199 : i32
      %add3A_201 = arith.constant 4 : i32
      %add3A_202 = arith.addi %add3A_200, %add3A_201 : i32
      %lt3A_203 = arith.constant 80 : i32
      %lt3A_204 = arith.cmpi slt, %add3A_202, %lt3A_203 : i32
      %convert_element_type3A_205 = arith.extui %lt3A_204 : i1 to i32
      %cond3A_206 = arith.constant 0 : i32
      %cond3A_207 = arith.cmpi ne, %convert_element_type3A_205, %cond3A_206 : i32
      scf.if %cond3A_207 {
        %add3A_252 = arith.constant 1 : i32
        %add3A_253 = arith.addi %mul3A_63, %add3A_252 : i32
        %add3A_254 = arith.constant 4 : i32
        %add3A_255 = arith.addi %add3A_253, %add3A_254 : i32
        %dma_start3A_256 = arith.constant 1 : i32
        %dma_start3A_257 = arith.constant 0 : i32
        %dma_start3A_258 = arith.constant 0 : i32
        %dma_start3A_259 = tpu.memref_slice %arg9[%dma_start3A_256, %dma_start3A_257, %dma_start3A_258] : memref<4x128x32xf32, #tpu.memory_space<vmem>> -> memref<1x128x32xf32, #tpu.memory_space<vmem>>
        %dma_start3A_260 = tpu.memref_squeeze %dma_start3A_259 : memref<1x128x32xf32, #tpu.memory_space<vmem>> -> memref<128x32xf32, #tpu.memory_space<vmem>>
        %dma_start3A_261 = arith.constant 0 : i32
        %dma_start3A_262 = tpu.memref_slice %arg7[%add3A_255, %dma_start3A_261] : memref<80x128xi32, #tpu.memory_space<vmem>> -> memref<1x128xi32, #tpu.memory_space<vmem>>
        %dma_start3A_263 = tpu.memref_squeeze %dma_start3A_262 : memref<1x128xi32, #tpu.memory_space<vmem>> -> memref<128xi32, #tpu.memory_space<vmem>>
        %dma_start3A_264 = arith.constant 0 : i32
        %dma_start3A_265 = arith.constant 0 : i32
        %dma_start3A_266 = tpu.memref_slice %arg11[%dma_start3A_264, %dma_start3A_265] : memref<10000x32xf32, #tpu.memory_space<vmem_shared>> -> memref<10000x32xf32, #tpu.memory_space<vmem_shared>>
        tpu.enqueue_indirect_dma source(%dma_start3A_266 : memref<10000x32xf32, #tpu.memory_space<vmem_shared>>) target(%dma_start3A_260 : memref<128x32xf32, #tpu.memory_space<vmem>>) offsets(%dma_start3A_263 : memref<128xi32, #tpu.memory_space<vmem>>) semaphore(%arg13 : memref<!tpu.dma_semaphore, #tpu.memory_space<semaphore_mem>>)
      } else {
      }
      %add3A_208 = arith.constant 2 : i32
      %add3A_209 = arith.addi %mul3A_63, %add3A_208 : i32
      %dma_wait3A_210 = arith.constant 2 : i32
      %dma_wait3A_211 = arith.constant 0 : i32
      %dma_wait3A_212 = arith.constant 0 : i32
      %dma_wait3A_213 = tpu.memref_slice %arg9[%dma_wait3A_210, %dma_wait3A_211, %dma_wait3A_212] : memref<4x128x32xf32, #tpu.memory_space<vmem>> -> memref<1x128x32xf32, #tpu.memory_space<vmem>>
      %dma_wait3A_214 = tpu.memref_squeeze %dma_wait3A_213 : memref<1x128x32xf32, #tpu.memory_space<vmem>> -> memref<128x32xf32, #tpu.memory_space<vmem>>
      %dma_wait3A_215 = arith.constant 0 : i32
      %dma_wait3A_216 = tpu.memref_slice %arg8[%add3A_209, %dma_wait3A_215] : memref<80x128xi32, #tpu.memory_space<vmem>> -> memref<1x128xi32, #tpu.memory_space<vmem>>
      %dma_wait3A_217 = tpu.memref_squeeze %dma_wait3A_216 : memref<1x128xi32, #tpu.memory_space<vmem>> -> memref<128xi32, #tpu.memory_space<vmem>>
      %dma_wait3A_218 = arith.constant 0 : i32
      %dma_wait3A_219 = arith.constant 0 : i32
      %dma_wait3A_220 = tpu.memref_slice %arg10[%dma_wait3A_218, %dma_wait3A_219] : memref<10240x32xf32, #tpu.memory_space<vmem_shared>> -> memref<10240x32xf32, #tpu.memory_space<vmem_shared>>
      tpu.wait_indirect_dma semaphore(%arg18 : memref<!tpu.dma_semaphore, #tpu.memory_space<semaphore_mem>>) src(%dma_wait3A_214 : memref<128x32xf32, #tpu.memory_space<vmem>>) dst(%dma_wait3A_220 : memref<10240x32xf32, #tpu.memory_space<vmem_shared>>)
      %add3A_221 = arith.constant 2 : i32
      %add3A_222 = arith.addi %mul3A_63, %add3A_221 : i32
      %add3A_223 = arith.constant 4 : i32
      %add3A_224 = arith.addi %add3A_222, %add3A_223 : i32
      %lt3A_225 = arith.constant 80 : i32
      %lt3A_226 = arith.cmpi slt, %add3A_224, %lt3A_225 : i32
      %convert_element_type3A_227 = arith.extui %lt3A_226 : i1 to i32
      %cond3A_228 = arith.constant 0 : i32
      %cond3A_229 = arith.cmpi ne, %convert_element_type3A_227, %cond3A_228 : i32
      scf.if %cond3A_229 {
        %add3A_252 = arith.constant 2 : i32
        %add3A_253 = arith.addi %mul3A_63, %add3A_252 : i32
        %add3A_254 = arith.constant 4 : i32
        %add3A_255 = arith.addi %add3A_253, %add3A_254 : i32
        %dma_start3A_256 = arith.constant 2 : i32
        %dma_start3A_257 = arith.constant 0 : i32
        %dma_start3A_258 = arith.constant 0 : i32
        %dma_start3A_259 = tpu.memref_slice %arg9[%dma_start3A_256, %dma_start3A_257, %dma_start3A_258] : memref<4x128x32xf32, #tpu.memory_space<vmem>> -> memref<1x128x32xf32, #tpu.memory_space<vmem>>
        %dma_start3A_260 = tpu.memref_squeeze %dma_start3A_259 : memref<1x128x32xf32, #tpu.memory_space<vmem>> -> memref<128x32xf32, #tpu.memory_space<vmem>>
        %dma_start3A_261 = arith.constant 0 : i32
        %dma_start3A_262 = tpu.memref_slice %arg7[%add3A_255, %dma_start3A_261] : memref<80x128xi32, #tpu.memory_space<vmem>> -> memref<1x128xi32, #tpu.memory_space<vmem>>
        %dma_start3A_263 = tpu.memref_squeeze %dma_start3A_262 : memref<1x128xi32, #tpu.memory_space<vmem>> -> memref<128xi32, #tpu.memory_space<vmem>>
        %dma_start3A_264 = arith.constant 0 : i32
        %dma_start3A_265 = arith.constant 0 : i32
        %dma_start3A_266 = tpu.memref_slice %arg11[%dma_start3A_264, %dma_start3A_265] : memref<10000x32xf32, #tpu.memory_space<vmem_shared>> -> memref<10000x32xf32, #tpu.memory_space<vmem_shared>>
        tpu.enqueue_indirect_dma source(%dma_start3A_266 : memref<10000x32xf32, #tpu.memory_space<vmem_shared>>) target(%dma_start3A_260 : memref<128x32xf32, #tpu.memory_space<vmem>>) offsets(%dma_start3A_263 : memref<128xi32, #tpu.memory_space<vmem>>) semaphore(%arg14 : memref<!tpu.dma_semaphore, #tpu.memory_space<semaphore_mem>>)
      } else {
      }
      %add3A_230 = arith.constant 3 : i32
      %add3A_231 = arith.addi %mul3A_63, %add3A_230 : i32
      %dma_wait3A_232 = arith.constant 3 : i32
      %dma_wait3A_233 = arith.constant 0 : i32
      %dma_wait3A_234 = arith.constant 0 : i32
      %dma_wait3A_235 = tpu.memref_slice %arg9[%dma_wait3A_232, %dma_wait3A_233, %dma_wait3A_234] : memref<4x128x32xf32, #tpu.memory_space<vmem>> -> memref<1x128x32xf32, #tpu.memory_space<vmem>>
      %dma_wait3A_236 = tpu.memref_squeeze %dma_wait3A_235 : memref<1x128x32xf32, #tpu.memory_space<vmem>> -> memref<128x32xf32, #tpu.memory_space<vmem>>
      %dma_wait3A_237 = arith.constant 0 : i32
      %dma_wait3A_238 = tpu.memref_slice %arg8[%add3A_231, %dma_wait3A_237] : memref<80x128xi32, #tpu.memory_space<vmem>> -> memref<1x128xi32, #tpu.memory_space<vmem>>
      %dma_wait3A_239 = tpu.memref_squeeze %dma_wait3A_238 : memref<1x128xi32, #tpu.memory_space<vmem>> -> memref<128xi32, #tpu.memory_space<vmem>>
      %dma_wait3A_240 = arith.constant 0 : i32
      %dma_wait3A_241 = arith.constant 0 : i32
      %dma_wait3A_242 = tpu.memref_slice %arg10[%dma_wait3A_240, %dma_wait3A_241] : memref<10240x32xf32, #tpu.memory_space<vmem_shared>> -> memref<10240x32xf32, #tpu.memory_space<vmem_shared>>
      tpu.wait_indirect_dma semaphore(%arg19 : memref<!tpu.dma_semaphore, #tpu.memory_space<semaphore_mem>>) src(%dma_wait3A_236 : memref<128x32xf32, #tpu.memory_space<vmem>>) dst(%dma_wait3A_242 : memref<10240x32xf32, #tpu.memory_space<vmem_shared>>)
      %add3A_243 = arith.constant 3 : i32
      %add3A_244 = arith.addi %mul3A_63, %add3A_243 : i32
      %add3A_245 = arith.constant 4 : i32
      %add3A_246 = arith.addi %add3A_244, %add3A_245 : i32
      %lt3A_247 = arith.constant 80 : i32
      %lt3A_248 = arith.cmpi slt, %add3A_246, %lt3A_247 : i32
      %convert_element_type3A_249 = arith.extui %lt3A_248 : i1 to i32
      %cond3A_250 = arith.constant 0 : i32
      %cond3A_251 = arith.cmpi ne, %convert_element_type3A_249, %cond3A_250 : i32
      scf.if %cond3A_251 {
        %add3A_252 = arith.constant 3 : i32
        %add3A_253 = arith.addi %mul3A_63, %add3A_252 : i32
        %add3A_254 = arith.constant 4 : i32
        %add3A_255 = arith.addi %add3A_253, %add3A_254 : i32
        %dma_start3A_256 = arith.constant 3 : i32
        %dma_start3A_257 = arith.constant 0 : i32
        %dma_start3A_258 = arith.constant 0 : i32
        %dma_start3A_259 = tpu.memref_slice %arg9[%dma_start3A_256, %dma_start3A_257, %dma_start3A_258] : memref<4x128x32xf32, #tpu.memory_space<vmem>> -> memref<1x128x32xf32, #tpu.memory_space<vmem>>
        %dma_start3A_260 = tpu.memref_squeeze %dma_start3A_259 : memref<1x128x32xf32, #tpu.memory_space<vmem>> -> memref<128x32xf32, #tpu.memory_space<vmem>>
        %dma_start3A_261 = arith.constant 0 : i32
        %dma_start3A_262 = tpu.memref_slice %arg7[%add3A_255, %dma_start3A_261] : memref<80x128xi32, #tpu.memory_space<vmem>> -> memref<1x128xi32, #tpu.memory_space<vmem>>
        %dma_start3A_263 = tpu.memref_squeeze %dma_start3A_262 : memref<1x128xi32, #tpu.memory_space<vmem>> -> memref<128xi32, #tpu.memory_space<vmem>>
        %dma_start3A_264 = arith.constant 0 : i32
        %dma_start3A_265 = arith.constant 0 : i32
        %dma_start3A_266 = tpu.memref_slice %arg11[%dma_start3A_264, %dma_start3A_265] : memref<10000x32xf32, #tpu.memory_space<vmem_shared>> -> memref<10000x32xf32, #tpu.memory_space<vmem_shared>>
        tpu.enqueue_indirect_dma source(%dma_start3A_266 : memref<10000x32xf32, #tpu.memory_space<vmem_shared>>) target(%dma_start3A_260 : memref<128x32xf32, #tpu.memory_space<vmem>>) offsets(%dma_start3A_263 : memref<128xi32, #tpu.memory_space<vmem>>) semaphore(%arg15 : memref<!tpu.dma_semaphore, #tpu.memory_space<semaphore_mem>>)
      } else {
      }
    }
    %scan3A_55 = arith.constant 20 : i32
    %barrier3A_56 = arith.constant 0 : index
    tpu.barrier barrier_id(%barrier3A_56)
    "tpu.region"() ({
      %run_scoped3A = tpu.sem_alloc : memref<!tpu.dma_semaphore, #tpu.memory_space<semaphore_mem>>
      %dma_start3A_57 = arith.constant 0 : i32
      %dma_start3A_58 = tpu.memref_slice %arg6[%arg0, %mul3A_2, %dma_start3A_57] : memref<2x10240x32xf32, #tpu.memory_space<hbm>> -> memref<1x640x32xf32, #tpu.memory_space<hbm>>
      %dma_start3A_59 = tpu.memref_squeeze %dma_start3A_58 : memref<1x640x32xf32, #tpu.memory_space<hbm>> -> memref<640x32xf32, #tpu.memory_space<hbm>>
      %dma_start3A_60 = arith.constant 0 : i32
      %dma_start3A_61 = tpu.memref_slice %arg10[%mul3A_2, %dma_start3A_60] : memref<10240x32xf32, #tpu.memory_space<vmem_shared>> -> memref<640x32xf32, #tpu.memory_space<vmem_shared>>
      tpu.enqueue_dma source(%dma_start3A_61 : memref<640x32xf32, #tpu.memory_space<vmem_shared>>) target(%dma_start3A_59 : memref<640x32xf32, #tpu.memory_space<hbm>>) target_semaphore(%run_scoped3A : memref<!tpu.dma_semaphore, #tpu.memory_space<semaphore_mem>>)
      %dma_wait3A = arith.constant 0 : i32
      %dma_wait3A_62 = tpu.memref_slice %arg6[%arg0, %mul3A_2, %dma_wait3A] : memref<2x10240x32xf32, #tpu.memory_space<hbm>> -> memref<1x640x32xf32, #tpu.memory_space<hbm>>
      %dma_wait3A_63 = tpu.memref_squeeze %dma_wait3A_62 : memref<1x640x32xf32, #tpu.memory_space<hbm>> -> memref<640x32xf32, #tpu.memory_space<hbm>>
      %dma_wait3A_64 = arith.constant 0 : i32
      %dma_wait3A_65 = tpu.memref_slice %arg10[%mul3A_2, %dma_wait3A_64] : memref<10240x32xf32, #tpu.memory_space<vmem_shared>> -> memref<640x32xf32, #tpu.memory_space<vmem_shared>>
      tpu.wait_dma2 semaphore(%run_scoped3A : memref<!tpu.dma_semaphore, #tpu.memory_space<semaphore_mem>>) src(%dma_wait3A_65 : memref<640x32xf32, #tpu.memory_space<vmem_shared>>) dst(%dma_wait3A_63 : memref<640x32xf32, #tpu.memory_space<hbm>>)
      tpu.yield
    }) : () -> ()
    return
  }
}

module attributes {stable_mosaic.version = 14 : i64} {
  func.func @_tc_prep_body(%arg0: i32, %arg1: memref<2000x128xf32, #tpu.memory_space<vmem>>, %arg2: memref<128x32xf32, #tpu.memory_space<vmem>>, %arg3: memref<2x2000x1xf32, #tpu.memory_space<vmem>>, %arg4: memref<2000x32xf32, #tpu.memory_space<vmem>>) attributes {dimension_semantics = [#tpu.dimension_semantics<arbitrary>], iteration_bounds = array<i64: 5>, scalar_prefetch = 0 : i64, scratch_operands = 0 : i64, tpu.core_type = #tpu.core_type<tc>, window_params = [{transform_indices = @transform_0, window_bounds = array<i64: 2000, 128>}, {pipeline_mode = #tpu.pipeline_mode<synchronous>, transform_indices = @transform_1, window_bounds = array<i64: 128, 32>}, {transform_indices = @transform_2, window_bounds = array<i64: 2, 2000, 1>}, {transform_indices = @transform_3, window_bounds = array<i64: 2000, 32>}]} {
    %get3A = arith.constant 0 : index
    %get3A_0 = arith.constant 0 : index
    %get3A_1 = vector.load %arg1[%get3A, %get3A_0] : memref<2000x128xf32, #tpu.memory_space<vmem>>, vector<2000x128xf32>
    %get3A_2 = arith.constant 0 : index
    %get3A_3 = arith.constant 0 : index
    %get3A_4 = vector.load %arg2[%get3A_2, %get3A_3] : memref<128x32xf32, #tpu.memory_space<vmem>>, vector<128x32xf32>
    %dot_general3A = arith.constant dense<0.000000e+00> : vector<2000x32xf32>
    %dot_general3A_5 = tpu.matmul %get3A_1, %get3A_4, %dot_general3A {dimension_numbers = #tpu.dot_dimension_numbers<[1], [0], [0], [1], [0, 0, 1, 1], [], []>, transpose_lhs_hint = false} : vector<2000x128xf32>, vector<128x32xf32>, vector<2000x32xf32> -> vector<2000x32xf32>
    %get3A_6 = arith.constant 0 : index
    %get3A_7 = arith.constant 0 : index
    %get3A_8 = arith.constant 0 : index
    %get3A_9 = vector.load %arg3[%get3A_6, %get3A_7, %get3A_8] : memref<2x2000x1xf32, #tpu.memory_space<vmem>>, vector<2x2000x1xf32>
    %slice3A = vector.extract_strided_slice %get3A_9 {offsets = [0, 0, 0], sizes = [1, 2000, 1], strides = [1, 1, 1]} : vector<2x2000x1xf32> to vector<1x2000x1xf32>
    %squeeze3A = vector.shape_cast %slice3A : vector<1x2000x1xf32> to vector<2000xf32>
    %slice3A_10 = vector.extract_strided_slice %get3A_9 {offsets = [1, 0, 0], sizes = [1, 2000, 1], strides = [1, 1, 1]} : vector<2x2000x1xf32> to vector<1x2000x1xf32>
    %squeeze3A_11 = vector.shape_cast %slice3A_10 : vector<1x2000x1xf32> to vector<2000xf32>
    %add3A = arith.addf %squeeze3A, %squeeze3A_11 : vector<2000xf32>
    %add3A_12 = arith.constant 1.000000e+00 : f32
    %add3A_13 = vector.broadcast %add3A_12 : f32 to vector<2000xf32>
    %add3A_14 = arith.addf %add3A, %add3A_13 : vector<2000xf32>
    %rsqrt3A = math.rsqrt %add3A_14 : vector<2000xf32>
    %broadcast_in_dim3A = vector.shape_cast %rsqrt3A : vector<2000xf32> to vector<2000x1xf32>
    %mul3A = vector.broadcast %broadcast_in_dim3A : vector<2000x1xf32> to vector<2000x32xf32>
    %mul3A_15 = arith.mulf %dot_general3A_5, %mul3A : vector<2000x32xf32>
    %swap3A = arith.constant 0 : index
    %swap3A_16 = arith.constant 0 : index
    %swap3A_17 = vector.load %arg4[%swap3A, %swap3A_16] : memref<2000x32xf32, #tpu.memory_space<vmem>>, vector<2000x32xf32>
    tpu.vector_store %arg4[%swap3A, %swap3A_16], %mul3A_15 {strides = array<i32>} : memref<2000x32xf32, #tpu.memory_space<vmem>>, vector<2000x32xf32>,
    return
  }
  func.func @transform_0(%arg0: i32) -> (i32, i32) {
    %c0_i32 = arith.constant 0 : i32
    %c0_i32_0 = arith.constant 0 : i32
    return %arg0, %c0_i32 : i32, i32
  }
  func.func @transform_1(%arg0: i32) -> (i32, i32) {
    %c0_i32 = arith.constant 0 : i32
    %c0_i32_0 = arith.constant 0 : i32
    %c0_i32_1 = arith.constant 0 : i32
    return %c0_i32, %c0_i32_0 : i32, i32
  }
  func.func @transform_2(%arg0: i32) -> (i32, i32, i32) {
    %c0_i32 = arith.constant 0 : i32
    %c0_i32_0 = arith.constant 0 : i32
    %c0_i32_1 = arith.constant 0 : i32
    return %c0_i32, %arg0, %c0_i32_0 : i32, i32, i32
  }
  func.func @transform_3(%arg0: i32) -> (i32, i32) {
    %c0_i32 = arith.constant 0 : i32
    %c0_i32_0 = arith.constant 0 : i32
    return %arg0, %c0_i32 : i32, i32
  }
}

module attributes {stable_mosaic.version = 14 : i64} {
  func.func @_tc_layer1_body(%arg0: i32, %arg1: memref<2x2000x32xf32, #tpu.memory_space<vmem>>, %arg2: memref<2000x32xf32, #tpu.memory_space<vmem>>, %arg3: memref<2x2000x1xf32, #tpu.memory_space<vmem>>, %arg4: memref<1x32xf32, #tpu.memory_space<vmem>>, %arg5: memref<2000x32xf32, #tpu.memory_space<vmem>>) attributes {dimension_semantics = [#tpu.dimension_semantics<arbitrary>], iteration_bounds = array<i64: 5>, scalar_prefetch = 0 : i64, scratch_operands = 0 : i64, tpu.core_type = #tpu.core_type<tc>, window_params = [{transform_indices = @transform_0, window_bounds = array<i64: 2, 2000, 32>}, {transform_indices = @transform_1, window_bounds = array<i64: 2000, 32>}, {transform_indices = @transform_2, window_bounds = array<i64: 2, 2000, 1>}, {pipeline_mode = #tpu.pipeline_mode<synchronous>, transform_indices = @transform_3, window_bounds = array<i64: 1, 32>}, {transform_indices = @transform_4, window_bounds = array<i64: 2000, 32>}]} {
    %get3A = arith.constant 0 : index
    %get3A_0 = arith.constant 0 : index
    %get3A_1 = arith.constant 0 : index
    %get3A_2 = vector.load %arg3[%get3A, %get3A_0, %get3A_1] : memref<2x2000x1xf32, #tpu.memory_space<vmem>>, vector<2x2000x1xf32>
    %slice3A = vector.extract_strided_slice %get3A_2 {offsets = [0, 0, 0], sizes = [1, 2000, 1], strides = [1, 1, 1]} : vector<2x2000x1xf32> to vector<1x2000x1xf32>
    %squeeze3A = vector.shape_cast %slice3A : vector<1x2000x1xf32> to vector<2000xf32>
    %slice3A_3 = vector.extract_strided_slice %get3A_2 {offsets = [1, 0, 0], sizes = [1, 2000, 1], strides = [1, 1, 1]} : vector<2x2000x1xf32> to vector<1x2000x1xf32>
    %squeeze3A_4 = vector.shape_cast %slice3A_3 : vector<1x2000x1xf32> to vector<2000xf32>
    %add3A = arith.addf %squeeze3A, %squeeze3A_4 : vector<2000xf32>
    %add3A_5 = arith.constant 1.000000e+00 : f32
    %add3A_6 = vector.broadcast %add3A_5 : f32 to vector<2000xf32>
    %add3A_7 = arith.addf %add3A, %add3A_6 : vector<2000xf32>
    %rsqrt3A = math.rsqrt %add3A_7 : vector<2000xf32>
    %get3A_8 = arith.constant 0 : index
    %get3A_9 = arith.constant 0 : index
    %get3A_10 = arith.constant 0 : index
    %get3A_11 = vector.load %arg1[%get3A_8, %get3A_9, %get3A_10] : memref<2x2000x32xf32, #tpu.memory_space<vmem>>, vector<2x2000x32xf32>
    %broadcast_in_dim3A = vector.shape_cast %rsqrt3A : vector<2000xf32> to vector<2000x1xf32>
    %slice3A_12 = vector.extract_strided_slice %get3A_11 {offsets = [0, 0, 0], sizes = [1, 2000, 32], strides = [1, 1, 1]} : vector<2x2000x32xf32> to vector<1x2000x32xf32>
    %squeeze3A_13 = vector.shape_cast %slice3A_12 : vector<1x2000x32xf32> to vector<2000x32xf32>
    %slice3A_14 = vector.extract_strided_slice %get3A_11 {offsets = [1, 0, 0], sizes = [1, 2000, 32], strides = [1, 1, 1]} : vector<2x2000x32xf32> to vector<1x2000x32xf32>
    %squeeze3A_15 = vector.shape_cast %slice3A_14 : vector<1x2000x32xf32> to vector<2000x32xf32>
    %add3A_16 = arith.addf %squeeze3A_13, %squeeze3A_15 : vector<2000x32xf32>
    %get3A_17 = arith.constant 0 : index
    %get3A_18 = arith.constant 0 : index
    %get3A_19 = vector.load %arg2[%get3A_17, %get3A_18] : memref<2000x32xf32, #tpu.memory_space<vmem>>, vector<2000x32xf32>
    %add3A_20 = arith.addf %add3A_16, %get3A_19 : vector<2000x32xf32>
    %mul3A = vector.broadcast %broadcast_in_dim3A : vector<2000x1xf32> to vector<2000x32xf32>
    %mul3A_21 = arith.mulf %mul3A, %add3A_20 : vector<2000x32xf32>
    %get3A_22 = arith.constant 0 : index
    %get3A_23 = arith.constant 0 : index
    %get3A_24 = vector.load %arg4[%get3A_22, %get3A_23] : memref<1x32xf32, #tpu.memory_space<vmem>>, vector<1x32xf32>
    %add3A_25 = vector.broadcast %get3A_24 : vector<1x32xf32> to vector<2000x32xf32>
    %add3A_26 = arith.addf %mul3A_21, %add3A_25 : vector<2000x32xf32>
    %max3A = arith.constant 0.000000e+00 : f32
    %max3A_27 = vector.broadcast %max3A : f32 to vector<2000x32xf32>
    %max3A_28 = arith.maximumf %add3A_26, %max3A_27 : vector<2000x32xf32>
    %broadcast_in_dim3A_29 = vector.shape_cast %rsqrt3A : vector<2000xf32> to vector<2000x1xf32>
    %mul3A_30 = vector.broadcast %broadcast_in_dim3A_29 : vector<2000x1xf32> to vector<2000x32xf32>
    %mul3A_31 = arith.mulf %max3A_28, %mul3A_30 : vector<2000x32xf32>
    %swap3A = arith.constant 0 : index
    %swap3A_32 = arith.constant 0 : index
    %swap3A_33 = vector.load %arg5[%swap3A, %swap3A_32] : memref<2000x32xf32, #tpu.memory_space<vmem>>, vector<2000x32xf32>
    tpu.vector_store %arg5[%swap3A, %swap3A_32], %mul3A_31 {strides = array<i32>} : memref<2000x32xf32, #tpu.memory_space<vmem>>, vector<2000x32xf32>,
    return
  }
  func.func @transform_0(%arg0: i32) -> (i32, i32, i32) {
    %c0_i32 = arith.constant 0 : i32
    %c0_i32_0 = arith.constant 0 : i32
    %c0_i32_1 = arith.constant 0 : i32
    return %c0_i32, %arg0, %c0_i32_0 : i32, i32, i32
  }
  func.func @transform_1(%arg0: i32) -> (i32, i32) {
    %c0_i32 = arith.constant 0 : i32
    %c0_i32_0 = arith.constant 0 : i32
    return %arg0, %c0_i32 : i32, i32
  }
  func.func @transform_2(%arg0: i32) -> (i32, i32, i32) {
    %c0_i32 = arith.constant 0 : i32
    %c0_i32_0 = arith.constant 0 : i32
    %c0_i32_1 = arith.constant 0 : i32
    return %c0_i32, %arg0, %c0_i32_0 : i32, i32, i32
  }
  func.func @transform_3(%arg0: i32) -> (i32, i32) {
    %c0_i32 = arith.constant 0 : i32
    %c0_i32_0 = arith.constant 0 : i32
    %c0_i32_1 = arith.constant 0 : i32
    return %c0_i32, %c0_i32_0 : i32, i32
  }
  func.func @transform_4(%arg0: i32) -> (i32, i32) {
    %c0_i32 = arith.constant 0 : i32
    %c0_i32_0 = arith.constant 0 : i32
    return %arg0, %c0_i32 : i32, i32
  }
}

module attributes {stable_mosaic.version = 14 : i64} {
  func.func @_tc_final_body(%arg0: i32, %arg1: memref<2x2000x32xf32, #tpu.memory_space<vmem>>, %arg2: memref<2000x32xf32, #tpu.memory_space<vmem>>, %arg3: memref<2x2000x1xf32, #tpu.memory_space<vmem>>, %arg4: memref<32x16xf32, #tpu.memory_space<vmem>>, %arg5: memref<1x16xf32, #tpu.memory_space<vmem>>, %arg6: memref<32x16xf32, #tpu.memory_space<vmem>>, %arg7: memref<1x16xf32, #tpu.memory_space<vmem>>, %arg8: memref<2000x16xf32, #tpu.memory_space<vmem>>, %arg9: memref<2000x16xf32, #tpu.memory_space<vmem>>) attributes {dimension_semantics = [#tpu.dimension_semantics<arbitrary>], iteration_bounds = array<i64: 5>, scalar_prefetch = 0 : i64, scratch_operands = 0 : i64, tpu.core_type = #tpu.core_type<tc>, window_params = [{transform_indices = @transform_0, window_bounds = array<i64: 2, 2000, 32>}, {transform_indices = @transform_1, window_bounds = array<i64: 2000, 32>}, {transform_indices = @transform_2, window_bounds = array<i64: 2, 2000, 1>}, {pipeline_mode = #tpu.pipeline_mode<synchronous>, transform_indices = @transform_3, window_bounds = array<i64: 32, 16>}, {pipeline_mode = #tpu.pipeline_mode<synchronous>, transform_indices = @transform_4, window_bounds = array<i64: 1, 16>}, {pipeline_mode = #tpu.pipeline_mode<synchronous>, transform_indices = @transform_5, window_bounds = array<i64: 32, 16>}, {pipeline_mode = #tpu.pipeline_mode<synchronous>, transform_indices = @transform_6, window_bounds = array<i64: 1, 16>}, {transform_indices = @transform_7, window_bounds = array<i64: 2000, 16>}, {transform_indices = @transform_8, window_bounds = array<i64: 2000, 16>}]} {
    %get3A = arith.constant 0 : index
    %get3A_0 = arith.constant 0 : index
    %get3A_1 = arith.constant 0 : index
    %get3A_2 = vector.load %arg3[%get3A, %get3A_0, %get3A_1] : memref<2x2000x1xf32, #tpu.memory_space<vmem>>, vector<2x2000x1xf32>
    %slice3A = vector.extract_strided_slice %get3A_2 {offsets = [0, 0, 0], sizes = [1, 2000, 1], strides = [1, 1, 1]} : vector<2x2000x1xf32> to vector<1x2000x1xf32>
    %squeeze3A = vector.shape_cast %slice3A : vector<1x2000x1xf32> to vector<2000xf32>
    %slice3A_3 = vector.extract_strided_slice %get3A_2 {offsets = [1, 0, 0], sizes = [1, 2000, 1], strides = [1, 1, 1]} : vector<2x2000x1xf32> to vector<1x2000x1xf32>
    %squeeze3A_4 = vector.shape_cast %slice3A_3 : vector<1x2000x1xf32> to vector<2000xf32>
    %add3A = arith.addf %squeeze3A, %squeeze3A_4 : vector<2000xf32>
    %add3A_5 = arith.constant 1.000000e+00 : f32
    %add3A_6 = vector.broadcast %add3A_5 : f32 to vector<2000xf32>
    %add3A_7 = arith.addf %add3A, %add3A_6 : vector<2000xf32>
    %rsqrt3A = math.rsqrt %add3A_7 : vector<2000xf32>
    %get3A_8 = arith.constant 0 : index
    %get3A_9 = arith.constant 0 : index
    %get3A_10 = arith.constant 0 : index
    %get3A_11 = vector.load %arg1[%get3A_8, %get3A_9, %get3A_10] : memref<2x2000x32xf32, #tpu.memory_space<vmem>>, vector<2x2000x32xf32>
    %broadcast_in_dim3A = vector.shape_cast %rsqrt3A : vector<2000xf32> to vector<2000x1xf32>
    %slice3A_12 = vector.extract_strided_slice %get3A_11 {offsets = [0, 0, 0], sizes = [1, 2000, 32], strides = [1, 1, 1]} : vector<2x2000x32xf32> to vector<1x2000x32xf32>
    %squeeze3A_13 = vector.shape_cast %slice3A_12 : vector<1x2000x32xf32> to vector<2000x32xf32>
    %slice3A_14 = vector.extract_strided_slice %get3A_11 {offsets = [1, 0, 0], sizes = [1, 2000, 32], strides = [1, 1, 1]} : vector<2x2000x32xf32> to vector<1x2000x32xf32>
    %squeeze3A_15 = vector.shape_cast %slice3A_14 : vector<1x2000x32xf32> to vector<2000x32xf32>
    %add3A_16 = arith.addf %squeeze3A_13, %squeeze3A_15 : vector<2000x32xf32>
    %get3A_17 = arith.constant 0 : index
    %get3A_18 = arith.constant 0 : index
    %get3A_19 = vector.load %arg2[%get3A_17, %get3A_18] : memref<2000x32xf32, #tpu.memory_space<vmem>>, vector<2000x32xf32>
    %add3A_20 = arith.addf %add3A_16, %get3A_19 : vector<2000x32xf32>
    %mul3A = vector.broadcast %broadcast_in_dim3A : vector<2000x1xf32> to vector<2000x32xf32>
    %mul3A_21 = arith.mulf %mul3A, %add3A_20 : vector<2000x32xf32>
    %get3A_22 = arith.constant 0 : index
    %get3A_23 = arith.constant 0 : index
    %get3A_24 = vector.load %arg4[%get3A_22, %get3A_23] : memref<32x16xf32, #tpu.memory_space<vmem>>, vector<32x16xf32>
    %dot_general3A = arith.constant dense<0.000000e+00> : vector<2000x16xf32>
    %dot_general3A_25 = tpu.matmul %mul3A_21, %get3A_24, %dot_general3A {dimension_numbers = #tpu.dot_dimension_numbers<[1], [0], [0], [1], [0, 0, 1, 1], [], []>, transpose_lhs_hint = false} : vector<2000x32xf32>, vector<32x16xf32>, vector<2000x16xf32> -> vector<2000x16xf32>
    %get3A_26 = arith.constant 0 : index
    %get3A_27 = arith.constant 0 : index
    %get3A_28 = vector.load %arg5[%get3A_26, %get3A_27] : memref<1x16xf32, #tpu.memory_space<vmem>>, vector<1x16xf32>
    %add3A_29 = vector.broadcast %get3A_28 : vector<1x16xf32> to vector<2000x16xf32>
    %add3A_30 = arith.addf %dot_general3A_25, %add3A_29 : vector<2000x16xf32>
    %swap3A = arith.constant 0 : index
    %swap3A_31 = arith.constant 0 : index
    %swap3A_32 = vector.load %arg8[%swap3A, %swap3A_31] : memref<2000x16xf32, #tpu.memory_space<vmem>>, vector<2000x16xf32>
    tpu.vector_store %arg8[%swap3A, %swap3A_31], %add3A_30 {strides = array<i32>} : memref<2000x16xf32, #tpu.memory_space<vmem>>, vector<2000x16xf32>,
    %get3A_33 = arith.constant 0 : index
    %get3A_34 = arith.constant 0 : index
    %get3A_35 = vector.load %arg6[%get3A_33, %get3A_34] : memref<32x16xf32, #tpu.memory_space<vmem>>, vector<32x16xf32>
    %dot_general3A_36 = arith.constant dense<0.000000e+00> : vector<2000x16xf32>
    %dot_general3A_37 = tpu.matmul %mul3A_21, %get3A_35, %dot_general3A_36 {dimension_numbers = #tpu.dot_dimension_numbers<[1], [0], [0], [1], [0, 0, 1, 1], [], []>, transpose_lhs_hint = false} : vector<2000x32xf32>, vector<32x16xf32>, vector<2000x16xf32> -> vector<2000x16xf32>
    %get3A_38 = arith.constant 0 : index
    %get3A_39 = arith.constant 0 : index
    %get3A_40 = vector.load %arg7[%get3A_38, %get3A_39] : memref<1x16xf32, #tpu.memory_space<vmem>>, vector<1x16xf32>
    %add3A_41 = vector.broadcast %get3A_40 : vector<1x16xf32> to vector<2000x16xf32>
    %add3A_42 = arith.addf %dot_general3A_37, %add3A_41 : vector<2000x16xf32>
    %swap3A_43 = arith.constant 0 : index
    %swap3A_44 = arith.constant 0 : index
    %swap3A_45 = vector.load %arg9[%swap3A_43, %swap3A_44] : memref<2000x16xf32, #tpu.memory_space<vmem>>, vector<2000x16xf32>
    tpu.vector_store %arg9[%swap3A_43, %swap3A_44], %add3A_42 {strides = array<i32>} : memref<2000x16xf32, #tpu.memory_space<vmem>>, vector<2000x16xf32>,
    return
  }
  func.func @transform_0(%arg0: i32) -> (i32, i32, i32) {
    %c0_i32 = arith.constant 0 : i32
    %c0_i32_0 = arith.constant 0 : i32
    %c0_i32_1 = arith.constant 0 : i32
    return %c0_i32, %arg0, %c0_i32_0 : i32, i32, i32
  }
  func.func @transform_1(%arg0: i32) -> (i32, i32) {
    %c0_i32 = arith.constant 0 : i32
    %c0_i32_0 = arith.constant 0 : i32
    return %arg0, %c0_i32 : i32, i32
  }
  func.func @transform_2(%arg0: i32) -> (i32, i32, i32) {
    %c0_i32 = arith.constant 0 : i32
    %c0_i32_0 = arith.constant 0 : i32
    %c0_i32_1 = arith.constant 0 : i32
    return %c0_i32, %arg0, %c0_i32_0 : i32, i32, i32
  }
  func.func @transform_3(%arg0: i32) -> (i32, i32) {
    %c0_i32 = arith.constant 0 : i32
    %c0_i32_0 = arith.constant 0 : i32
    %c0_i32_1 = arith.constant 0 : i32
    return %c0_i32, %c0_i32_0 : i32, i32
  }
  func.func @transform_4(%arg0: i32) -> (i32, i32) {
    %c0_i32 = arith.constant 0 : i32
    %c0_i32_0 = arith.constant 0 : i32
    %c0_i32_1 = arith.constant 0 : i32
    return %c0_i32, %c0_i32_0 : i32, i32
  }
  func.func @transform_5(%arg0: i32) -> (i32, i32) {
    %c0_i32 = arith.constant 0 : i32
    %c0_i32_0 = arith.constant 0 : i32
    %c0_i32_1 = arith.constant 0 : i32
    return %c0_i32, %c0_i32_0 : i32, i32
  }
  func.func @transform_6(%arg0: i32) -> (i32, i32) {
    %c0_i32 = arith.constant 0 : i32
    %c0_i32_0 = arith.constant 0 : i32
    %c0_i32_1 = arith.constant 0 : i32
    return %c0_i32, %c0_i32_0 : i32, i32
  }
  func.func @transform_7(%arg0: i32) -> (i32, i32) {
    %c0_i32 = arith.constant 0 : i32
    %c0_i32_0 = arith.constant 0 : i32
    return %arg0, %c0_i32 : i32, i32
  }
  func.func @transform_8(%arg0: i32) -> (i32, i32) {
    %c0_i32 = arith.constant 0 : i32
    %c0_i32_0 = arith.constant 0 : i32
    return %arg0, %c0_i32 : i32, i32
  }
}

</mosaic_0001>

<sc_bundles>
// kernel: kernel.11.cloned.1.call-start
scs
__scs_entry_jumppad:
0x0: {  	(pc) =	sbr.rel $0x88, $3  }
0x1: {  	(tag) =	ssettag $0x0;
	lr =	simm.s32 $0x1  }
0x2: {  	[smem:$0x3F99] =	sst lr;
	_ =	strace $0xD0000000  }
0x3: {  	_ = 	snop  }
0x4: {  	_ = 	snop  }
0x5: {  	_ = 	snop  }
0x6: {  	_ = 	snop  }
0x7: {  	_ = 	snop  }
__scs_overlays_trampoline_lowered:
0x8: {  	[smem:$0x3FA8] =	sst s0  }
0x9: {  	[smem:$0x3FA9] =	sst s1  }
0xa: {  	[smem:$0x3FAA] =	sst s2  }
0xb: {  	[smem:$0x3FAB] =	sst s3  }
0xc: {  	[smem:$0x3FAC] =	sst s4  }
0xd: {  	[smem:$0x3FAD] =	sst s5  }
0xe: {  	[smem:$0x3FAE] =	sst s6  }
0xf: {  	[smem:$0x3FAF] =	sst s7  }
0x10: {  	[smem:$0x3FB0] =	sst s8  }
0x11: {  	[smem:$0x3FB1] =	sst s9;
	s0 =	simm.s32 @!p0 $0x0  }
0x12: {  	s1 =	sld [smem:$0x3F97];
	s0 =	simm.s32 @p0 $0x1  }
0x13: {  	[smem:$0x3FB2] =	sst s0;
	s0 =	simm.s32 @!p1 $0x0  }
0x14: {  	s2 =	sld [smem:$0x3F96];
	s0 =	simm.s32 @p1 $0x1  }
0x15: {  	[smem:$0x3FB3] =	sst s0;
	s0 =	simm.s32 @!p2 $0x0  }
0x16: {  	s3 =	sld [smem:$0x3FDB];
	s0 =	simm.s32 @p2 $0x1  }
0x17: {  	s4 =	simm.s32 $0x1BF5;
	[smem:$0x3FB5] =	sst s0  }
0x18: {  	s0 =	sld [smem:$0x3F98];
	_ =	swait.ge [sflag:s4], $0x0  }
0x19: {  	s7 =	sld [smem:$0x3F99]  }
0x1a: {  	s8 =	sadd.s32 $0xFFFFE003, lr  }
0x1b: {  	s9 =	sadd.s32 $0xFFFFFEF7, lr;
	s5 =	simm.s32 $0xFFFFFFFF;
	p2 =	slt.u32 s8, $0xFFFFF086  }
0x1c: {  	p1 =	slt.u32 s9, $0xF7A;
	s5 =	simm.s32 @!p2 $0x0  }
0x1d: {  	s5 =	simm.s32 @p1 $0x1;
	p0 =	seq.s32 s7, s2  }
0x1e: {  	s7 =	smul.u32 @!p0 $0xF7A, s2;
	p2 =	seq.s32 @!p0 s5, $0x0  }
0x1f: {  	s9 =	smul.u32 $0xF7A, s1;
	s8 =	simm.s32 @!p0 $0x1BF5;
	p2 =	por !p2, p0  }
0x20: {  	[sflag:s8] =	ssyncset.s32 @!p0 $0xFFFFF086;
	s6 =	sadd.s32 @!p0 s3, s7;
	s7 =	simm.s32 @!p0 $0x108  }
0x21: {  	s3 =	sadd.s32 s3, s9;
	s6 =	sadd.s32 @!p0 $0x88, s6;
	s7 =	simm.s32 @p2 $0x1082  }
0x22: {  	[simem:s7], [sflag:s8] =	dma.local @!p0 [hbm:s6], $0xF7A  }
0x23: {  	s9 =	sor.u32 $0xD0000000, s2;
	s6 =	simm.s32 $0x108;
	_ =	swait.ge @!p0 [sflag:s8], $0x0  }
0x24: {  	s3 =	sadd.s32 $0x88, s3;
	s6 =	simm.s32 @!p1 $0x1082;
	[sflag:s4] =	ssyncset.s32 $0xFFFFF086  }
0x25: {  	[simem:s6], [sflag:s4] =	dma.local [hbm:s3], $0xF7A  }
0x26: {  	[smem:$0x3F99] =	sst s1;
	(tag) =	ssettag s2;
	_ =	strace s9  }
0x27: {  	s1 =	sld [smem:$0x3FA9]  }
0x28: {  	s2 =	sld [smem:$0x3FAA]  }
0x29: {  	s4 =	sld [smem:$0x3FAC]  }
0x2a: {  	p0 =	seq.s32 s5, $0x0;
	s5 =	sld [smem:$0x3FAD]  }
0x2b: {  	s6 =	sld [smem:$0x3FAE]  }
0x2c: {  	s7 =	sld [smem:$0x3FAF]  }
0x2d: {  	s3 =	simm.s32 $0x108;
	s8 =	sld [smem:$0x3FB0]  }
0x2e: {  	s3 =	simm.s32 @!p0 $0x1082;
	s9 =	sld [smem:$0x3FB1]  }
0x2f: {  	lr =	sadd.s32 s0, s3;
	s0 =	sld [smem:$0x3FA8]  }
0x30: {  	s3 =	sld [smem:$0x3FAB]  }
0x31: {  	[smem:$0x3FB4] =	sst s10  }
0x32: {  	s10 =	sld [smem:$0x3FB2];
	_ =	sdelay $0x3  }
0x33: {  	p0 =	seq.s32 s10, $0x1;
	s10 =	sld [smem:$0x3FB4];
	_ =	sdelay $0x3  }
0x34: {  	[smem:$0x3FB4] =	sst s10  }
0x35: {  	s10 =	sld [smem:$0x3FB3];
	_ =	sdelay $0x3  }
0x36: {  	p1 =	seq.s32 s10, $0x1;
	s10 =	sld [smem:$0x3FB4];
	_ =	sdelay $0x3  }
0x37: {  	[smem:$0x3FB4] =	sst s10  }
0x38: {  	s10 =	sld [smem:$0x3FB5]  }
0x39: {  	_ = 	snop;
	(pc) =	sbr.ind lr, $3  }
0x3a: {  	_ = 	snop  }
0x3b: {  	_ = 	snop  }
0x3c: {  	p2 =	seq.s32 s10, $0x1;
	s10 =	sld [smem:$0x3FB4]  }
0x3d: {  	_ =	shalt  }
0x3e: {  	_ =	shalt  }
0x3f: {  	_ =	shalt  }
0x40: {  	_ =	shalt  }
0x41: {  	_ =	shalt  }
0x42: {  	_ =	shalt  }
0x43: {  	_ =	shalt  }
0x44: {  	_ =	shalt  }
0x45: {  	_ =	shalt  }
0x46: {  	_ =	shalt  }
0x47: {  	_ =	shalt  }
0x48: {  	_ =	shalt  }
0x49: {  	_ =	shalt  }
0x4a: {  	_ =	shalt  }
0x4b: {  	_ =	shalt  }
0x4c: {  	_ =	shalt  }
0x4d: {  	_ =	shalt  }
0x4e: {  	_ =	shalt  }
0x4f: {  	_ =	shalt  }
0x50: {  	_ =	shalt  }
0x51: {  	_ =	shalt  }
0x52: {  	_ =	shalt  }
0x53: {  	_ =	shalt  }
0x54: {  	_ =	shalt  }
0x55: {  	_ =	shalt  }
0x56: {  	_ =	shalt  }
0x57: {  	_ =	shalt  }
0x58: {  	_ =	shalt  }
0x59: {  	_ =	shalt  }
0x5a: {  	_ =	shalt  }
0x5b: {  	_ =	shalt  }
0x5c: {  	_ =	shalt  }
0x5d: {  	_ =	shalt  }
0x5e: {  	_ =	shalt  }
0x5f: {  	_ =	shalt  }
0x60: {  	_ =	shalt  }
0x61: {  	_ =	shalt  }
0x62: {  	_ =	shalt  }
0x63: {  	_ =	shalt  }
0x64: {  	_ =	shalt  }
0x65: {  	_ =	shalt  }
0x66: {  	_ =	shalt  }
0x67: {  	_ =	shalt  }
0x68: {  	_ =	shalt  }
0x69: {  	_ =	shalt  }
0x6a: {  	_ =	shalt  }
0x6b: {  	_ =	shalt  }
0x6c: {  	_ =	shalt  }
0x6d: {  	_ =	shalt  }
0x6e: {  	_ =	shalt  }
0x6f: {  	_ =	shalt  }
0x70: {  	_ =	shalt  }
0x71: {  	_ =	shalt  }
0x72: {  	_ =	shalt  }
0x73: {  	_ =	shalt  }
0x74: {  	_ =	shalt  }
0x75: {  	_ =	shalt  }
0x76: {  	_ =	shalt  }
0x77: {  	_ =	shalt  }
0x78: {  	_ =	shalt  }
0x79: {  	_ =	shalt  }
0x7a: {  	_ =	shalt  }
0x7b: {  	_ =	shalt  }
0x7c: {  	_ =	shalt  }
0x7d: {  	_ =	shalt  }
0x7e: {  	_ =	shalt  }
0x7f: {  	_ =	shalt  }
0x80: {  	_ =	shalt  }
0x81: {  	_ =	shalt  }
0x82: {  	_ =	shalt  }
0x83: {  	_ =	shalt  }
0x84: {  	_ =	shalt  }
0x85: {  	_ =	shalt  }
0x86: {  	_ =	shalt  }
0x87: {  	_ =	shalt  }
.Lfunc_end0:
.L_simem_size_0:
called_computation.1_lowered:
.L_overlay_start_0:
0x88: {  	s2 =	sld [smem:$0x3FD9]  }
0x89: {  	s3 =	sld [smem:$0x3FFE];
	_ =	sdelay $0x1  }
0x8a: {  	s1 =	srdreg.scid  }
0x8b: {  	s0 =	sand.u32 $0x1, s1  }
0x8c: {  	s16 =	sshll.u32 s0, $0xA;
	s2 =	sadd.s32 s3, s2  }
0x8d: {  	s2 =	sadd.s32 s2, s16  }
0x8e: {  	[smem:$0x3FC0] =	sst s2  }
0x8f: {  	_ = 	snop  }
0x90: {  	(tm) =	ssettm $0x1  }
0x91: {  	s17 =	sld [smem:$0x3FFB];
	_ =	sdelay $0x3  }
0x92: {  	_ =	strace s17  }
0x93: {  	s2 =	sld [smem:$0x3FFC];
	_ =	sdelay $0x3  }
0x94: {  	_ =	strace s2  }
0x95: {  	s2 =	sld [smem:$0x3FFD];
	_ =	sdelay $0x3  }
0x96: {  	_ =	strace s2  }
0x97: {  	_ =	strace $0x8FFFFFFF  }
0x98: {  	s18 =	sld [smem:$0x3FDB];
	_ =	sdelay $0x1  }
0x99: {  	s19 =	simm.s32 $_scs_section_size  }
0x9a: {  	s4 =	simm.s32 $_size__tile_overlayer_lowered;
	s5 =	simm.s32 $_tile_overlayer_lowered  }
0x9b: {  	s22 =	simm.s32 $0x1BFF;
	s21 =	sshll.u32 s5, $0x1;
	s2 =	sadd.s32 s19, s18  }
0x9c: {  	s6 =	simm.s32 $0x0;
	s20 =	sshll.u32 s4, $0x1;
	s4 =	sadd.s32 s21, s2  }
0x9d: {  	[timem:s6], [sflag:s22] =	dma.local [hbm:s4], s20  }
0x9e: {  	_ =	swait.ge [sflag:s22], s20  }
0x9f: {  	s3 =	ssub.s32 $0x0, s20;
	[sflag:s22] =	ssyncset.done $0x0  }
0xa0: {  	[sflag:s22] =	ssyncadd.s32 s3;
	_ =	sdelay $0x1  }
0xa1: {  	s23 =	simm.s32 $0x1B8B  }
0xa2: {  	_ =	swait.ge [sflag:s23], $0x1  }
0xa3: {  	[sflag:s23] =	ssyncset.done $0x0  }
0xa4: {  	s25 =	simm.s32 $0x1B8E;
	s24 =	sld [smem:$0x3FFE];
	[sflag:s23] =	ssyncadd.s32 $0xFFFFFFFF  }
0xa5: {  	s26 =	simm.s32 $execute0_lowered;
	[smem:$0x3FD2] =	sst s25  }
0xa6: {  	s4 =	sshll.u32 s26, $0x1;
	_ =	strace $0x80000049;
	[dreg:$0x1] =	wrdreg $0xFFFFFFFF  }
0xa7: {  	s28 =	simm.s32 $_size_execute0_lowered;
	s2 =	sadd.s32 s2, s4;
	[dreg:$0x0] =	wrdreg $0x0  }
0xa8: {  	s4 =	sshll.u32 s28, $0x1;
	[dreg:$0x2] =	wrdreg s2  }
0xa9: {  	[dreg:$0x3] =	wrdreg s4  }
0xaa: {  	[dreg:$0x4] =	wrdreg $0xC0  }
0xab: {  	_ =	task [dreg:s6], $0x5FFFF  }
0xac: {  	[dreg:$0x1] =	wrdreg $0xFFFFFFFF  }
0xad: {  	[dreg:$0x0] =	wrdreg $0x60  }
0xae: {  	[dreg:$0x2] =	wrdreg s24  }
0xaf: {  	[dreg:$0x3] =	wrdreg $0xE0000  }
0xb0: {  	[dreg:$0x4] =	wrdreg $0x90000  }
0xb1: {  	[dreg:$0x5] =	wrdreg $0x9  }
0xb2: {  	_ =	task.clear_ibuf [dreg:s6], $0x6FFFF;
	_ =	strace $0x90000049  }
0xb3: {  	s29 =	simm.s32 $0x9;
	_ =	strace $0x8000004B  }
0xb4: {  	_ =	swait.ge [sflag:s29], $0x1  }
0xb5: {  	[sflag:s29] =	ssyncadd.s32 $0xFFFFFFFF  }
0xb6: {  	_ =	strace $0x9000004B  }
0xb7: {  	_ =	sfence  }
0xb8: {  	s30 =	sld [smem:$0x0];
	_ =	sdelay $0x2  }
0xb9: {  	s31 =	sshll.u32 s1, $0xD;
	s1 =	sshrl.u32 s1, $0x2  }
0xba: {  	s3 =	sand.u32 $0x4000, s31;
	s1 =	sadd.s32 s1, s30  }
0xbb: {  	s0 =	sor.u32 s3, s0;
	s1 =	sshll.u32 s1, $0x11  }
0xbc: {  	s0 =	sor.u32 s1, s0  }
0xbd: {  	s0 =	sadd.s32 $0x8F2B, s0  }
0xbe: {  	[sflag:s0] =	ssyncadd.remote.s32 $0x1  }
0xbf: {  	_ =	sfence.sel $0xFFFF  }
0xc0: {  	[dreg:$0x0] =	wrdreg $0xFFFFFFFF;
	(pc) =	sbr.abs _section_cstart, $3  }
0xc1: {  	[dreg:$0x1] =	wrdreg $0xFFFFFFFF  }
0xc2: {  	_ =	task.clear_ibuf [dreg:s6], $0x2FFFF;
	_ =	strace $0x9FFFFFFF  }
0xc3: {  	(tm) =	ssettm $0x7FFFFFFF  }
tec
execute0_lowered:
.L_overlay_start_1:
0x0: {  	(tag) =	ssettag $0x1  }
0x1: {  	s12 =	stileid.u32  }
0x2: {  	s0 =	srdreg.scid;
	s1 =	rddreg [dreg:$0x0]  }
0x3: {  	s2 =	rddreg [dreg:$0x1];
	s13 =	simm.s32 $0x9;
	s16 =	simm.s32 $0x80  }
0x4: {  	s17 =	simm.s32 $0x5000;
	s18 =	simm.s32 $0x6000;
	s20 =	simm.s32 $0x7000  }
0x5: {  	s28 =	simm.s32 $0x5;
	s29 =	simm.s32 $0x6;
	s30 =	simm.s32 $0x7  }
0x6: {  	s31 =	simm.s32 $0x8;
	s19 =	simm.s32 $0x4F80;
	s21 =	simm.s32 $0x0  }
0x7: {  	s0 =	sand.u32 $0x1, s0;
	s3 =	sshll.u32 s12, $0x1;
	s5 =	smul.u32 $0x4E20, s12  }
0x8: {  	s7 =	smul.u32 $0x5000, s12;
	s25 =	sshll.u32 s12, $0x6;
	s4 =	sor.u32 s0, s3  }
0x9: {  	s3 =	rddreg [dreg:$0x2];
	s9 =	smul.u32 $0x50000, s0;
	s0 =	ssub.s32 $0x2, s0  }
0xa: {  	s6 =	smul.u32 $0x500, s4;
	s4 =	simm.s32 $0x0;
	s8 =	sshrl.u32 s5, $0x3  }
0xb: {  	s22 =	sshrl.u32 s7, $0x3;
	s24 =	sshrl.u32 s0, $0x1;
	s26 =	sadd.s32 s5, s2  }
0xc: {  	s14 =	sadd.s32 s7, s3;
	[smem:$0x7FF] =	sst s4;
	s8 =	sadd.s32 s8, s1  }
0xd: {  	s9 =	sadd.s32 s7, s9;
	s11 =	sadd.s32 s22, s1;
	s0 =	ssub.s32 s0, s24  }
0xe: {  	s12 =	sshrl.u32 s26, $0x3;
	s14 =	sshrl.u32 s14, $0x3;
	s22 =	simm.s32 $0x8000  }
0xf: {  	s24 =	simm.s32 $0x2;
	s26 =	simm.s32 $0x4;
	_ =	strace $0x8000004A  }
0x10: {  	s10 =	sadd.s32 s6, s1;
	s23 =	sshrl.u32 s9, $0x3;
	s5 =	sadd.s32 $0x8D200, s8  }
0x11: {  	s6 =	sor.u32 $0x1C09, s25;
	s7 =	sadd.s32 $0x97000, s11;
	s11 =	smax.u32 s0, $0x1  }
0x12: {  	s25 =	simm.s32 $0x3;
	s1 =	sadd.s32 s23, s1;
	s8 =	sadd.s32 $0xC000, s10  }
0x13: {  	s9 =	sadd.s32 $0x2000, s10;
	s23 =	simm.s32 $0x1;
	s10 =	sadd.s32 $0xA1000, s1  }
.LBB2_1:
0x14: {  	[spmem:s12], [sflag:s6] =	dma.local [hbm:s5], $0x9C4  }
0x15: {  	_ =	swait.ge [sflag:s13], $0x9C4  }
0x16: {  	[sflag:s13] =	ssyncset.done $0x0  }
0x17: {  	[sflag:s13] =	ssyncadd.s32 $0xFFFFF63C  }
0x18: {  	[spmem:s14], [sflag:s6] =	dma.local [hbm:s7], $0xA00  }
0x19: {  	_ =	swait.ge [sflag:s13], $0xA00  }
0x1a: {  	[sflag:s13] =	ssyncset.done $0x0  }
0x1b: {  	[sflag:s13] =	ssyncadd.s32 $0xFFFFF600  }
0x1c: {  	[tilespmem:s4], [sflag:$0x9] =	stream.linear.gather [hbm4b:s8+s4], $0x2800, $0x38;
	[tilespmem:$0x12E20] =	vst v63  }
0x1d: {  	_ =	swait.ge [sflag:s13], $0x2800  }
0x1e: {  	[sflag:s13] =	ssyncset.done $0x0  }
0x1f: {  	s0 =	simm.s32 $0x2800;
	[sflag:s13] =	ssyncadd.s32 $0xFFFFD800  }
0x20: {  	[tilespmem:s0], [sflag:$0x9] =	stream.linear.gather [hbm4b:s9+s4], $0x2800, $0x38;
	[tilespmem:$0x12E20] =	vst v63  }
0x21: {  	_ =	swait.ge [sflag:s13], $0x2800  }
0x22: {  	[sflag:s13] =	ssyncset.done $0x0  }
0x23: {  	[sflag:s13] =	ssyncadd.s32 $0xFFFFD800  }
0x24: {  	[bflag:$0x0] =	sbarrier.arrive $0xFFFF  }
0x25: {  	[tilespmem:s17], [sflag:$0x1] =	stream.indirect.gather [spmem:s2], $0x20, s4, s16, $0xb8;
	[tilespmem:$0x12E20] =	vst v63  }
0x26: {  	_ = 	snop  }
0x27: {  	[tilespmem:s18], [sflag:$0x2] =	stream.indirect.gather [spmem:s2], $0x20, s16, s16, $0xb8;
	[tilespmem:$0x12E20] =	vst v63  }
0x28: {  	s15 =	simm.s32 $0x100  }
0x29: {  	[tilespmem:s20], [sflag:$0x3] =	stream.indirect.gather [spmem:s2], $0x20, s15, s16, $0xb8;
	[tilespmem:$0x12E20] =	vst v63  }
0x2a: {  	s1 =	simm.s32 $0x180  }
0x2b: {  	[tilespmem:s22], [sflag:$0x4] =	stream.indirect.gather [spmem:s2], $0x20, s1, s16, $0xb8;
	[tilespmem:$0x12E20] =	vst v63  }
0x2c: {  	_ =	swait.ge [sflag:s23], $0x1000  }
0x2d: {  	[sflag:s23] =	ssyncset.done $0x0  }
0x2e: {  	s15 =	simm.s32 $0x2800;
	[sflag:s23] =	ssyncadd.s32 $0xFFFFF000  }
0x2f: {  	[spmem:s3] =	stream.indirect.scatter.add.f32 [tilespmem:s17], [sflag:$0x5], $0x20, s15, s16, $0xb8;
	[tilespmem:$0x12E20] =	vst v63  }
0x30: {  	_ =	swait.ge [sflag:s24], $0x1000  }
0x31: {  	[sflag:s24] =	ssyncset.done $0x0  }
0x32: {  	s1 =	simm.s32 $0x2880;
	[sflag:s24] =	ssyncadd.s32 $0xFFFFF000  }
0x33: {  	[spmem:s3] =	stream.indirect.scatter.add.f32 [tilespmem:s18], [sflag:$0x6], $0x20, s1, s16, $0xb8;
	[tilespmem:$0x12E20] =	vst v63  }
0x34: {  	_ =	swait.ge [sflag:s25], $0x1000  }
0x35: {  	[sflag:s25] =	ssyncset.done $0x0  }
0x36: {  	s15 =	simm.s32 $0x2900;
	[sflag:s25] =	ssyncadd.s32 $0xFFFFF000  }
0x37: {  	[spmem:s3] =	stream.indirect.scatter.add.f32 [tilespmem:s20], [sflag:$0x7], $0x20, s15, s16, $0xb8;
	[tilespmem:$0x12E20] =	vst v63  }
0x38: {  	_ =	swait.ge [sflag:s26], $0x1000  }
0x39: {  	[sflag:s26] =	ssyncset.done $0x0  }
0x3a: {  	s1 =	simm.s32 $0x2980;
	[sflag:s26] =	ssyncadd.s32 $0xFFFFF000  }
0x3b: {  	[spmem:s3] =	stream.indirect.scatter.add.f32 [tilespmem:s22], [sflag:$0x8], $0x20, s1, s16, $0xb8;
	[tilespmem:$0x12E20] =	vst v63  }
0x3c: {  	_ =	swait.ge [sflag:s28], $0x1000  }
0x3d: {  	[sflag:s28] =	ssyncset.done $0x0  }
0x3e: {  	s15 =	simm.s32 $0x200;
	[sflag:s28] =	ssyncadd.s32 $0xFFFFF000  }
0x3f: {  	[tilespmem:s17], [sflag:$0x1] =	stream.indirect.gather [spmem:s2], $0x20, s15, s16, $0xb8;
	[tilespmem:$0x12E20] =	vst v63  }
0x40: {  	_ =	swait.ge [sflag:s29], $0x1000  }
0x41: {  	[sflag:s29] =	ssyncset.done $0x0  }
0x42: {  	s1 =	simm.s32 $0x280;
	[sflag:s29] =	ssyncadd.s32 $0xFFFFF000  }
0x43: {  	[tilespmem:s18], [sflag:$0x2] =	stream.indirect.gather [spmem:s2], $0x20, s1, s16, $0xb8;
	[tilespmem:$0x12E20] =	vst v63  }
0x44: {  	_ =	swait.ge [sflag:s30], $0x1000  }
0x45: {  	[sflag:s30] =	ssyncset.done $0x0  }
0x46: {  	s15 =	simm.s32 $0x300;
	[sflag:s30] =	ssyncadd.s32 $0xFFFFF000  }
0x47: {  	[tilespmem:s20], [sflag:$0x3] =	stream.indirect.gather [spmem:s2], $0x20, s15, s16, $0xb8;
	[tilespmem:$0x12E20] =	vst v63  }
0x48: {  	_ =	swait.ge [sflag:s31], $0x1000  }
0x49: {  	[sflag:s31] =	ssyncset.done $0x0  }
0x4a: {  	s0 =	simm.s32 $0x380;
	s1 =	simm.s32 $0x800;
	[sflag:s31] =	ssyncadd.s32 $0xFFFFF000  }
.LBB2_2:
0x4b: {  	[tilespmem:s22], [sflag:$0x4] =	stream.indirect.gather [spmem:s2], $0x20, s0, s16, $0xb8;
	[tilespmem:$0x12E20] =	vst v63  }
0x4c: {  	s0 =	smov.u32 s1  }
0x4d: {  	p0 =	sne.s32 s1, $0x9000;
	s1 =	sadd.s32 $0x800, s1;
	_ =	swait.ge [sflag:s23], $0x1000  }
0x4e: {  	s0 =	sshra.s32 s0, $0x2;
	[sflag:s23] =	ssyncset.done $0x0  }
0x4f: {  	s15 =	sadd.s32 $0x2800, s0;
	[sflag:s23] =	ssyncadd.s32 $0xFFFFF000  }
0x50: {  	[spmem:s3] =	stream.indirect.scatter.add.f32 [tilespmem:s17], [sflag:$0x5], $0x20, s15, s16, $0xb8;
	[tilespmem:$0x12E20] =	vst v63  }
0x51: {  	_ =	swait.ge [sflag:s24], $0x1000  }
0x52: {  	[sflag:s24] =	ssyncset.done $0x0  }
0x53: {  	s15 =	sadd.s32 $0x2880, s0;
	[sflag:s24] =	ssyncadd.s32 $0xFFFFF000  }
0x54: {  	[spmem:s3] =	stream.indirect.scatter.add.f32 [tilespmem:s18], [sflag:$0x6], $0x20, s15, s16, $0xb8;
	[tilespmem:$0x12E20] =	vst v63  }
0x55: {  	_ =	swait.ge [sflag:s25], $0x1000  }
0x56: {  	[sflag:s25] =	ssyncset.done $0x0  }
0x57: {  	s15 =	sadd.s32 $0x2900, s0;
	[sflag:s25] =	ssyncadd.s32 $0xFFFFF000  }
0x58: {  	[spmem:s3] =	stream.indirect.scatter.add.f32 [tilespmem:s20], [sflag:$0x7], $0x20, s15, s16, $0xb8;
	[tilespmem:$0x12E20] =	vst v63  }
0x59: {  	_ =	swait.ge [sflag:s26], $0x1000  }
0x5a: {  	[sflag:s26] =	ssyncset.done $0x0  }
0x5b: {  	s15 =	sadd.s32 $0x2980, s0;
	[sflag:s26] =	ssyncadd.s32 $0xFFFFF000  }
0x5c: {  	[spmem:s3] =	stream.indirect.scatter.add.f32 [tilespmem:s22], [sflag:$0x8], $0x20, s15, s16, $0xb8;
	[tilespmem:$0x12E20] =	vst v63  }
0x5d: {  	_ =	swait.ge [sflag:s28], $0x1000  }
0x5e: {  	[sflag:s28] =	ssyncset.done $0x0  }
0x5f: {  	s15 =	sadd.s32 $0x200, s0;
	[sflag:s28] =	ssyncadd.s32 $0xFFFFF000  }
0x60: {  	[tilespmem:s17], [sflag:$0x1] =	stream.indirect.gather [spmem:s2], $0x20, s15, s16, $0xb8;
	[tilespmem:$0x12E20] =	vst v63  }
0x61: {  	_ =	swait.ge [sflag:s29], $0x1000  }
0x62: {  	[sflag:s29] =	ssyncset.done $0x0  }
0x63: {  	s15 =	sadd.s32 $0x280, s0;
	[sflag:s29] =	ssyncadd.s32 $0xFFFFF000  }
0x64: {  	[tilespmem:s18], [sflag:$0x2] =	stream.indirect.gather [spmem:s2], $0x20, s15, s16, $0xb8;
	[tilespmem:$0x12E20] =	vst v63  }
0x65: {  	_ =	swait.ge [sflag:s30], $0x1000  }
0x66: {  	[sflag:s30] =	ssyncset.done $0x0  }
.Ltmp0:
0x67: {  	s15 =	sadd.s32 $0x300, s0;
	[sflag:s30] =	ssyncadd.s32 $0xFFFFF000;
	(pc) =	sbr.rel @p0 .LBB2_2-.Ltmp0, $4  }
0x68: {  	[tilespmem:s20], [sflag:$0x3] =	stream.indirect.gather [spmem:s2], $0x20, s15, s16, $0xb8;
	[tilespmem:$0x12E20] =	vst v63  }
0x69: {  	_ =	swait.ge [sflag:s31], $0x1000  }
0x6a: {  	[sflag:s31] =	ssyncset.done $0x0  }
0x6b: {  	s0 =	sadd.s32 $0x380, s0;
	[sflag:s31] =	ssyncadd.s32 $0xFFFFF000  }
0x6c: {  	[tilespmem:s22], [sflag:$0x4] =	stream.indirect.gather [spmem:s2], $0x20, s0, s16, $0xb8;
	[tilespmem:$0x12E20] =	vst v63  }
0x6d: {  	_ =	swait.ge [sflag:s23], $0x1000  }
0x6e: {  	[sflag:s23] =	ssyncset.done $0x0  }
0x6f: {  	s15 =	simm.s32 $0x4E00;
	[sflag:s23] =	ssyncadd.s32 $0xFFFFF000  }
0x70: {  	[spmem:s3] =	stream.indirect.scatter.add.f32 [tilespmem:s17], [sflag:$0x5], $0x20, s15, s16, $0xb8;
	[tilespmem:$0x12E20] =	vst v63  }
0x71: {  	_ =	swait.ge [sflag:s24], $0x1000  }
0x72: {  	[sflag:s24] =	ssyncset.done $0x0  }
0x73: {  	s1 =	simm.s32 $0x4E80;
	[sflag:s24] =	ssyncadd.s32 $0xFFFFF000  }
0x74: {  	[spmem:s3] =	stream.indirect.scatter.add.f32 [tilespmem:s18], [sflag:$0x6], $0x20, s1, s16, $0xb8;
	[tilespmem:$0x12E20] =	vst v63  }
0x75: {  	_ =	swait.ge [sflag:s25], $0x1000  }
0x76: {  	[sflag:s25] =	ssyncset.done $0x0  }
0x77: {  	s15 =	simm.s32 $0x4F00;
	[sflag:s25] =	ssyncadd.s32 $0xFFFFF000  }
0x78: {  	[spmem:s3] =	stream.indirect.scatter.add.f32 [tilespmem:s20], [sflag:$0x7], $0x20, s15, s16, $0xb8;
	[tilespmem:$0x12E20] =	vst v63  }
0x79: {  	_ =	swait.ge [sflag:s26], $0x1000  }
0x7a: {  	[sflag:s26] =	ssyncset.done $0x0  }
0x7b: {  	[sflag:s26] =	ssyncadd.s32 $0xFFFFF000  }
0x7c: {  	[spmem:s3] =	stream.indirect.scatter.add.f32 [tilespmem:s22], [sflag:$0x8], $0x20, s19, s16, $0xb8;
	[tilespmem:$0x12E20] =	vst v63  }
0x7d: {  	_ =	swait.ge [sflag:s28], $0x1000  }
0x7e: {  	[sflag:s28] =	ssyncset.done $0x0  }
0x7f: {  	[sflag:s28] =	ssyncadd.s32 $0xFFFFF000  }
0x80: {  	_ =	swait.ge [sflag:s29], $0x1000  }
0x81: {  	[sflag:s29] =	ssyncset.done $0x0  }
0x82: {  	[sflag:s29] =	ssyncadd.s32 $0xFFFFF000  }
0x83: {  	_ =	swait.ge [sflag:s30], $0x1000  }
0x84: {  	[sflag:s30] =	ssyncset.done $0x0  }
0x85: {  	[sflag:s30] =	ssyncadd.s32 $0xFFFFF000  }
0x86: {  	_ =	swait.ge [sflag:s31], $0x1000  }
0x87: {  	s21 =	sadd.s32 $0x1, s21;
	[sflag:s31] =	ssyncset.done $0x0  }
0x88: {  	p0 =	sne.s32 s21, s11;
	[sflag:s31] =	ssyncadd.s32 $0xFFFFF000  }
.Ltmp1:
0x89: {  	[bflag:$0x0] =	sbarrier.arrive $0xFFFF;
	(pc) =	sbr.rel @p0 .LBB2_1-.Ltmp1, $4  }
0x8a: {  	[hbm:s10], [sflag:s6] =	dma.local [spmem:s14], $0xA00  }
0x8b: {  	_ =	swait.ge [sflag:s13], $0xA00  }
0x8c: {  	[sflag:s13] =	ssyncset.done $0x0  }
0x8d: {  	[sflag:s13] =	ssyncadd.s32 $0xFFFFF600  }
0x8e: {  	_ =	sfence.sel $0x180000  }
0x8f: {  	[bflag:$0x0] =	sbarrier.arrive $0xFFFF  }
0x90: {  	_ =	strace $0x9000004A  }
0x91: {  	s0 =	stileid.u32;
	[bflag:$0x2] =	sbarrier.arrive $0xFFFF  }
0x92: {  	p0 =	sne.s32 s0, $0x0;
	s0 =	rddreg [dreg:$0x3]  }
0x93: {  	s0 =	sadd.s32 @!p0 $0x100000, s0  }
0x94: {  	[sflag:s0] =	ssyncadd.tile.s32 @!p0 $0x1;
	_ =	shalt  }
.Lfunc_end2:
_tile_overlayer_lowered:
.L_overlay_start_2:
0x95: {  	(tag) =	ssettag $0x2  }
0x96: {  	s0 =	rddreg [dreg:$0x0];
	s2 =	stileid.u32  }
0x97: {  	s1 =	rddreg [dreg:$0x1];
	p0 =	sne.s32 s2, $0x0  }
0x98: {  	s3 =	rddreg [dreg:$0x2];
	[bflag:$0x3] =	sbarrier.arrive $0xFFFF;
	s2 =	simm.s32 @!p0 $0x1C09  }
0x99: {  	[timem:s3], [sflag:s2] =	dma.local @!p0 [hbm:s0], s1  }
0x9a: {  	s0 =	simm.s32 @!p0 $0x9  }
0x9b: {  	_ =	swait.ge @!p0 [sflag:s0], s1  }
0x9c: {  	s1 =	ssub.s32 @!p0 $0x0, s1;
	[sflag:s0] =	ssyncset.done @!p0 $0x0  }
0x9d: {  	[sflag:s0] =	ssyncadd.s32 @!p0 s1  }
0x9e: {  	[bflag:$0x3] =	sbarrier.arrive $0xFFFF  }
0x9f: {  	_ =	shalt  }

// kernel: kernel.14.cloned.1.call-start
scs
__scs_entry_jumppad:
0x0: {  	(pc) =	sbr.rel $0x88, $3  }
0x1: {  	(tag) =	ssettag $0x0;
	lr =	simm.s32 $0x1  }
0x2: {  	[smem:$0x3F99] =	sst lr;
	_ =	strace $0xD0000000  }
0x3: {  	_ = 	snop  }
0x4: {  	_ = 	snop  }
0x5: {  	_ = 	snop  }
0x6: {  	_ = 	snop  }
0x7: {  	_ = 	snop  }
__scs_overlays_trampoline_lowered:
0x8: {  	[smem:$0x3FA8] =	sst s0  }
0x9: {  	[smem:$0x3FA9] =	sst s1  }
0xa: {  	[smem:$0x3FAA] =	sst s2  }
0xb: {  	[smem:$0x3FAB] =	sst s3  }
0xc: {  	[smem:$0x3FAC] =	sst s4  }
0xd: {  	[smem:$0x3FAD] =	sst s5  }
0xe: {  	[smem:$0x3FAE] =	sst s6  }
0xf: {  	[smem:$0x3FAF] =	sst s7  }
0x10: {  	[smem:$0x3FB0] =	sst s8  }
0x11: {  	[smem:$0x3FB1] =	sst s9;
	s0 =	simm.s32 @!p0 $0x0  }
0x12: {  	s1 =	sld [smem:$0x3F97];
	s0 =	simm.s32 @p0 $0x1  }
0x13: {  	[smem:$0x3FB2] =	sst s0;
	s0 =	simm.s32 @!p1 $0x0  }
0x14: {  	s2 =	sld [smem:$0x3F96];
	s0 =	simm.s32 @p1 $0x1  }
0x15: {  	[smem:$0x3FB3] =	sst s0;
	s0 =	simm.s32 @!p2 $0x0  }
0x16: {  	s3 =	sld [smem:$0x3FDB];
	s0 =	simm.s32 @p2 $0x1  }
0x17: {  	s4 =	simm.s32 $0x1BF5;
	[smem:$0x3FB5] =	sst s0  }
0x18: {  	s0 =	sld [smem:$0x3F98];
	_ =	swait.ge [sflag:s4], $0x0  }
0x19: {  	s7 =	sld [smem:$0x3F99]  }
0x1a: {  	s8 =	sadd.s32 $0xFFFFE003, lr  }
0x1b: {  	s9 =	sadd.s32 $0xFFFFFEF7, lr;
	s5 =	simm.s32 $0xFFFFFFFF;
	p2 =	slt.u32 s8, $0xFFFFF086  }
0x1c: {  	p1 =	slt.u32 s9, $0xF7A;
	s5 =	simm.s32 @!p2 $0x0  }
0x1d: {  	s5 =	simm.s32 @p1 $0x1;
	p0 =	seq.s32 s7, s2  }
0x1e: {  	s7 =	smul.u32 @!p0 $0xF7A, s2;
	p2 =	seq.s32 @!p0 s5, $0x0  }
0x1f: {  	s9 =	smul.u32 $0xF7A, s1;
	s8 =	simm.s32 @!p0 $0x1BF5;
	p2 =	por !p2, p0  }
0x20: {  	[sflag:s8] =	ssyncset.s32 @!p0 $0xFFFFF086;
	s6 =	sadd.s32 @!p0 s3, s7;
	s7 =	simm.s32 @!p0 $0x108  }
0x21: {  	s3 =	sadd.s32 s3, s9;
	s6 =	sadd.s32 @!p0 $0x88, s6;
	s7 =	simm.s32 @p2 $0x1082  }
0x22: {  	[simem:s7], [sflag:s8] =	dma.local @!p0 [hbm:s6], $0xF7A  }
0x23: {  	s9 =	sor.u32 $0xD0000000, s2;
	s6 =	simm.s32 $0x108;
	_ =	swait.ge @!p0 [sflag:s8], $0x0  }
0x24: {  	s3 =	sadd.s32 $0x88, s3;
	s6 =	simm.s32 @!p1 $0x1082;
	[sflag:s4] =	ssyncset.s32 $0xFFFFF086  }
0x25: {  	[simem:s6], [sflag:s4] =	dma.local [hbm:s3], $0xF7A  }
0x26: {  	[smem:$0x3F99] =	sst s1;
	(tag) =	ssettag s2;
	_ =	strace s9  }
0x27: {  	s1 =	sld [smem:$0x3FA9]  }
0x28: {  	s2 =	sld [smem:$0x3FAA]  }
0x29: {  	s4 =	sld [smem:$0x3FAC]  }
0x2a: {  	p0 =	seq.s32 s5, $0x0;
	s5 =	sld [smem:$0x3FAD]  }
0x2b: {  	s6 =	sld [smem:$0x3FAE]  }
0x2c: {  	s7 =	sld [smem:$0x3FAF]  }
0x2d: {  	s3 =	simm.s32 $0x108;
	s8 =	sld [smem:$0x3FB0]  }
0x2e: {  	s3 =	simm.s32 @!p0 $0x1082;
	s9 =	sld [smem:$0x3FB1]  }
0x2f: {  	lr =	sadd.s32 s0, s3;
	s0 =	sld [smem:$0x3FA8]  }
0x30: {  	s3 =	sld [smem:$0x3FAB]  }
0x31: {  	[smem:$0x3FB4] =	sst s10  }
0x32: {  	s10 =	sld [smem:$0x3FB2];
	_ =	sdelay $0x3  }
0x33: {  	p0 =	seq.s32 s10, $0x1;
	s10 =	sld [smem:$0x3FB4];
	_ =	sdelay $0x3  }
0x34: {  	[smem:$0x3FB4] =	sst s10  }
0x35: {  	s10 =	sld [smem:$0x3FB3];
	_ =	sdelay $0x3  }
0x36: {  	p1 =	seq.s32 s10, $0x1;
	s10 =	sld [smem:$0x3FB4];
	_ =	sdelay $0x3  }
0x37: {  	[smem:$0x3FB4] =	sst s10  }
0x38: {  	s10 =	sld [smem:$0x3FB5]  }
0x39: {  	_ = 	snop;
	(pc) =	sbr.ind lr, $3  }
0x3a: {  	_ = 	snop  }
0x3b: {  	_ = 	snop  }
0x3c: {  	p2 =	seq.s32 s10, $0x1;
	s10 =	sld [smem:$0x3FB4]  }
0x3d: {  	_ =	shalt  }
0x3e: {  	_ =	shalt  }
0x3f: {  	_ =	shalt  }
0x40: {  	_ =	shalt  }
0x41: {  	_ =	shalt  }
0x42: {  	_ =	shalt  }
0x43: {  	_ =	shalt  }
0x44: {  	_ =	shalt  }
0x45: {  	_ =	shalt  }
0x46: {  	_ =	shalt  }
0x47: {  	_ =	shalt  }
0x48: {  	_ =	shalt  }
0x49: {  	_ =	shalt  }
0x4a: {  	_ =	shalt  }
0x4b: {  	_ =	shalt  }
0x4c: {  	_ =	shalt  }
0x4d: {  	_ =	shalt  }
0x4e: {  	_ =	shalt  }
0x4f: {  	_ =	shalt  }
0x50: {  	_ =	shalt  }
0x51: {  	_ =	shalt  }
0x52: {  	_ =	shalt  }
0x53: {  	_ =	shalt  }
0x54: {  	_ =	shalt  }
0x55: {  	_ =	shalt  }
0x56: {  	_ =	shalt  }
0x57: {  	_ =	shalt  }
0x58: {  	_ =	shalt  }
0x59: {  	_ =	shalt  }
0x5a: {  	_ =	shalt  }
0x5b: {  	_ =	shalt  }
0x5c: {  	_ =	shalt  }
0x5d: {  	_ =	shalt  }
0x5e: {  	_ =	shalt  }
0x5f: {  	_ =	shalt  }
0x60: {  	_ =	shalt  }
0x61: {  	_ =	shalt  }
0x62: {  	_ =	shalt  }
0x63: {  	_ =	shalt  }
0x64: {  	_ =	shalt  }
0x65: {  	_ =	shalt  }
0x66: {  	_ =	shalt  }
0x67: {  	_ =	shalt  }
0x68: {  	_ =	shalt  }
0x69: {  	_ =	shalt  }
0x6a: {  	_ =	shalt  }
0x6b: {  	_ =	shalt  }
0x6c: {  	_ =	shalt  }
0x6d: {  	_ =	shalt  }
0x6e: {  	_ =	shalt  }
0x6f: {  	_ =	shalt  }
0x70: {  	_ =	shalt  }
0x71: {  	_ =	shalt  }
0x72: {  	_ =	shalt  }
0x73: {  	_ =	shalt  }
0x74: {  	_ =	shalt  }
0x75: {  	_ =	shalt  }
0x76: {  	_ =	shalt  }
0x77: {  	_ =	shalt  }
0x78: {  	_ =	shalt  }
0x79: {  	_ =	shalt  }
0x7a: {  	_ =	shalt  }
0x7b: {  	_ =	shalt  }
0x7c: {  	_ =	shalt  }
0x7d: {  	_ =	shalt  }
0x7e: {  	_ =	shalt  }
0x7f: {  	_ =	shalt  }
0x80: {  	_ =	shalt  }
0x81: {  	_ =	shalt  }
0x82: {  	_ =	shalt  }
0x83: {  	_ =	shalt  }
0x84: {  	_ =	shalt  }
0x85: {  	_ =	shalt  }
0x86: {  	_ =	shalt  }
0x87: {  	_ =	shalt  }
.Lfunc_end0:
.L_simem_size_0:
called_computation.2_lowered:
.L_overlay_start_0:
0x88: {  	s2 =	sld [smem:$0x3FD9]  }
0x89: {  	s3 =	sld [smem:$0x3FFE];
	_ =	sdelay $0x1  }
0x8a: {  	s1 =	srdreg.scid  }
0x8b: {  	s0 =	sand.u32 $0x1, s1  }
0x8c: {  	s16 =	sshll.u32 s0, $0xA;
	s2 =	sadd.s32 s3, s2  }
0x8d: {  	s2 =	sadd.s32 s2, s16  }
0x8e: {  	[smem:$0x3FC0] =	sst s2  }
0x8f: {  	_ = 	snop  }
0x90: {  	(tm) =	ssettm $0x1  }
0x91: {  	s17 =	sld [smem:$0x3FFB];
	_ =	sdelay $0x3  }
0x92: {  	_ =	strace s17  }
0x93: {  	s2 =	sld [smem:$0x3FFC];
	_ =	sdelay $0x3  }
0x94: {  	_ =	strace s2  }
0x95: {  	s2 =	sld [smem:$0x3FFD];
	_ =	sdelay $0x3  }
0x96: {  	_ =	strace s2  }
0x97: {  	_ =	strace $0x8FFFFFFF  }
0x98: {  	s18 =	sld [smem:$0x3FDB];
	_ =	sdelay $0x1  }
0x99: {  	s19 =	simm.s32 $_scs_section_size  }
0x9a: {  	s4 =	simm.s32 $_size__tile_overlayer_lowered;
	s5 =	simm.s32 $_tile_overlayer_lowered  }
0x9b: {  	s22 =	simm.s32 $0x1BFF;
	s21 =	sshll.u32 s5, $0x1;
	s2 =	sadd.s32 s19, s18  }
0x9c: {  	s6 =	simm.s32 $0x0;
	s20 =	sshll.u32 s4, $0x1;
	s4 =	sadd.s32 s21, s2  }
0x9d: {  	[timem:s6], [sflag:s22] =	dma.local [hbm:s4], s20  }
0x9e: {  	_ =	swait.ge [sflag:s22], s20  }
0x9f: {  	s3 =	ssub.s32 $0x0, s20;
	[sflag:s22] =	ssyncset.done $0x0  }
0xa0: {  	[sflag:s22] =	ssyncadd.s32 s3;
	_ =	sdelay $0x1  }
0xa1: {  	s23 =	simm.s32 $0x1B8B  }
0xa2: {  	_ =	swait.ge [sflag:s23], $0x1  }
0xa3: {  	[sflag:s23] =	ssyncset.done $0x0  }
0xa4: {  	s25 =	simm.s32 $0x1B8E;
	s24 =	sld [smem:$0x3FFE];
	[sflag:s23] =	ssyncadd.s32 $0xFFFFFFFF  }
0xa5: {  	s26 =	simm.s32 $execute0_lowered;
	[smem:$0x3FD2] =	sst s25  }
0xa6: {  	s4 =	sshll.u32 s26, $0x1;
	_ =	strace $0x8000004C;
	[dreg:$0x1] =	wrdreg $0xFFFFFFFF  }
0xa7: {  	s28 =	simm.s32 $_size_execute0_lowered;
	s2 =	sadd.s32 s2, s4;
	[dreg:$0x0] =	wrdreg $0x0  }
0xa8: {  	s4 =	sshll.u32 s28, $0x1;
	[dreg:$0x2] =	wrdreg s2  }
0xa9: {  	[dreg:$0x3] =	wrdreg s4  }
0xaa: {  	[dreg:$0x4] =	wrdreg $0xC0  }
0xab: {  	_ =	task [dreg:s6], $0x5FFFF  }
0xac: {  	[dreg:$0x1] =	wrdreg $0xFFFFFFFF  }
0xad: {  	[dreg:$0x0] =	wrdreg $0x60  }
0xae: {  	[dreg:$0x2] =	wrdreg s24  }
0xaf: {  	[dreg:$0x3] =	wrdreg $0xE0000  }
0xb0: {  	[dreg:$0x4] =	wrdreg $0x90000  }
0xb1: {  	[dreg:$0x5] =	wrdreg $0x9  }
0xb2: {  	_ =	task.clear_ibuf [dreg:s6], $0x6FFFF;
	_ =	strace $0x9000004C  }
0xb3: {  	s29 =	simm.s32 $0x9;
	_ =	strace $0x8000004E  }
0xb4: {  	_ =	swait.ge [sflag:s29], $0x1  }
0xb5: {  	[sflag:s29] =	ssyncadd.s32 $0xFFFFFFFF  }
0xb6: {  	_ =	strace $0x9000004E  }
0xb7: {  	_ =	sfence  }
0xb8: {  	s30 =	sld [smem:$0x0];
	_ =	sdelay $0x2  }
0xb9: {  	s31 =	sshll.u32 s1, $0xD;
	s1 =	sshrl.u32 s1, $0x2  }
0xba: {  	s3 =	sand.u32 $0x4000, s31;
	s1 =	sadd.s32 s1, s30  }
0xbb: {  	s0 =	sor.u32 s3, s0;
	s1 =	sshll.u32 s1, $0x11  }
0xbc: {  	s0 =	sor.u32 s1, s0  }
0xbd: {  	s0 =	sadd.s32 $0x8F2B, s0  }
0xbe: {  	[sflag:s0] =	ssyncadd.remote.s32 $0x1  }
0xbf: {  	_ =	sfence.sel $0xFFFF  }
0xc0: {  	[dreg:$0x0] =	wrdreg $0xFFFFFFFF;
	(pc) =	sbr.abs _section_cstart, $3  }
0xc1: {  	[dreg:$0x1] =	wrdreg $0xFFFFFFFF  }
0xc2: {  	_ =	task.clear_ibuf [dreg:s6], $0x2FFFF;
	_ =	strace $0x9FFFFFFF  }
0xc3: {  	(tm) =	ssettm $0x7FFFFFFF  }
tec
execute0_lowered:
.L_overlay_start_1:
0x0: {  	(tag) =	ssettag $0x1  }
0x1: {  	s12 =	stileid.u32  }
0x2: {  	s0 =	srdreg.scid;
	s1 =	rddreg [dreg:$0x0]  }
0x3: {  	s2 =	rddreg [dreg:$0x1];
	s13 =	simm.s32 $0x9;
	s16 =	simm.s32 $0x80  }
0x4: {  	s17 =	simm.s32 $0x5000;
	s18 =	simm.s32 $0x6000;
	s20 =	simm.s32 $0x7000  }
0x5: {  	s28 =	simm.s32 $0x5;
	s29 =	simm.s32 $0x6;
	s30 =	simm.s32 $0x7  }
0x6: {  	s31 =	simm.s32 $0x8;
	s19 =	simm.s32 $0x4F80;
	s21 =	simm.s32 $0x0  }
0x7: {  	s0 =	sand.u32 $0x1, s0;
	s3 =	sshll.u32 s12, $0x1;
	s5 =	smul.u32 $0x4E20, s12  }
0x8: {  	s7 =	smul.u32 $0x5000, s12;
	s25 =	sshll.u32 s12, $0x6;
	s4 =	sor.u32 s0, s3  }
0x9: {  	s3 =	rddreg [dreg:$0x2];
	s9 =	smul.u32 $0x50000, s0;
	s0 =	ssub.s32 $0x2, s0  }
0xa: {  	s6 =	smul.u32 $0x500, s4;
	s4 =	simm.s32 $0x0;
	s8 =	sshrl.u32 s5, $0x3  }
0xb: {  	s22 =	sshrl.u32 s7, $0x3;
	s24 =	sshrl.u32 s0, $0x1;
	s26 =	sadd.s32 s5, s2  }
0xc: {  	s14 =	sadd.s32 s7, s3;
	[smem:$0x7FF] =	sst s4;
	s8 =	sadd.s32 s8, s1  }
0xd: {  	s9 =	sadd.s32 s7, s9;
	s11 =	sadd.s32 s22, s1;
	s0 =	ssub.s32 s0, s24  }
0xe: {  	s12 =	sshrl.u32 s26, $0x3;
	s14 =	sshrl.u32 s14, $0x3;
	s22 =	simm.s32 $0x8000  }
0xf: {  	s24 =	simm.s32 $0x2;
	s26 =	simm.s32 $0x4;
	_ =	strace $0x8000004D  }
0x10: {  	s10 =	sadd.s32 s6, s1;
	s23 =	sshrl.u32 s9, $0x3;
	s5 =	sadd.s32 $0x66000, s8  }
0x11: {  	s6 =	sor.u32 $0x1C09, s25;
	s7 =	sadd.s32 $0x97000, s11;
	s11 =	smax.u32 s0, $0x1  }
0x12: {  	s25 =	simm.s32 $0x3;
	s1 =	sadd.s32 s23, s1;
	s8 =	sadd.s32 $0xC000, s10  }
0x13: {  	s9 =	sadd.s32 $0x2000, s10;
	s23 =	simm.s32 $0x1;
	s10 =	sadd.s32 $0x6FE00, s1  }
.LBB2_1:
0x14: {  	[spmem:s12], [sflag:s6] =	dma.local [hbm:s5], $0x9C4  }
0x15: {  	_ =	swait.ge [sflag:s13], $0x9C4  }
0x16: {  	[sflag:s13] =	ssyncset.done $0x0  }
0x17: {  	[sflag:s13] =	ssyncadd.s32 $0xFFFFF63C  }
0x18: {  	[spmem:s14], [sflag:s6] =	dma.local [hbm:s7], $0xA00  }
0x19: {  	_ =	swait.ge [sflag:s13], $0xA00  }
0x1a: {  	[sflag:s13] =	ssyncset.done $0x0  }
0x1b: {  	[sflag:s13] =	ssyncadd.s32 $0xFFFFF600  }
0x1c: {  	[tilespmem:s4], [sflag:$0x9] =	stream.linear.gather [hbm4b:s8+s4], $0x2800, $0x38;
	[tilespmem:$0x12E20] =	vst v63  }
0x1d: {  	_ =	swait.ge [sflag:s13], $0x2800  }
0x1e: {  	[sflag:s13] =	ssyncset.done $0x0  }
0x1f: {  	s0 =	simm.s32 $0x2800;
	[sflag:s13] =	ssyncadd.s32 $0xFFFFD800  }
0x20: {  	[tilespmem:s0], [sflag:$0x9] =	stream.linear.gather [hbm4b:s9+s4], $0x2800, $0x38;
	[tilespmem:$0x12E20] =	vst v63  }
0x21: {  	_ =	swait.ge [sflag:s13], $0x2800  }
0x22: {  	[sflag:s13] =	ssyncset.done $0x0  }
0x23: {  	[sflag:s13] =	ssyncadd.s32 $0xFFFFD800  }
0x24: {  	[bflag:$0x0] =	sbarrier.arrive $0xFFFF  }
0x25: {  	[tilespmem:s17], [sflag:$0x1] =	stream.indirect.gather [spmem:s2], $0x20, s4, s16, $0xb8;
	[tilespmem:$0x12E20] =	vst v63  }
0x26: {  	_ = 	snop  }
0x27: {  	[tilespmem:s18], [sflag:$0x2] =	stream.indirect.gather [spmem:s2], $0x20, s16, s16, $0xb8;
	[tilespmem:$0x12E20] =	vst v63  }
0x28: {  	s15 =	simm.s32 $0x100  }
0x29: {  	[tilespmem:s20], [sflag:$0x3] =	stream.indirect.gather [spmem:s2], $0x20, s15, s16, $0xb8;
	[tilespmem:$0x12E20] =	vst v63  }
0x2a: {  	s1 =	simm.s32 $0x180  }
0x2b: {  	[tilespmem:s22], [sflag:$0x4] =	stream.indirect.gather [spmem:s2], $0x20, s1, s16, $0xb8;
	[tilespmem:$0x12E20] =	vst v63  }
0x2c: {  	_ =	swait.ge [sflag:s23], $0x1000  }
0x2d: {  	[sflag:s23] =	ssyncset.done $0x0  }
0x2e: {  	s15 =	simm.s32 $0x2800;
	[sflag:s23] =	ssyncadd.s32 $0xFFFFF000  }
0x2f: {  	[spmem:s3] =	stream.indirect.scatter.add.f32 [tilespmem:s17], [sflag:$0x5], $0x20, s15, s16, $0xb8;
	[tilespmem:$0x12E20] =	vst v63  }
0x30: {  	_ =	swait.ge [sflag:s24], $0x1000  }
0x31: {  	[sflag:s24] =	ssyncset.done $0x0  }
0x32: {  	s1 =	simm.s32 $0x2880;
	[sflag:s24] =	ssyncadd.s32 $0xFFFFF000  }
0x33: {  	[spmem:s3] =	stream.indirect.scatter.add.f32 [tilespmem:s18], [sflag:$0x6], $0x20, s1, s16, $0xb8;
	[tilespmem:$0x12E20] =	vst v63  }
0x34: {  	_ =	swait.ge [sflag:s25], $0x1000  }
0x35: {  	[sflag:s25] =	ssyncset.done $0x0  }
0x36: {  	s15 =	simm.s32 $0x2900;
	[sflag:s25] =	ssyncadd.s32 $0xFFFFF000  }
0x37: {  	[spmem:s3] =	stream.indirect.scatter.add.f32 [tilespmem:s20], [sflag:$0x7], $0x20, s15, s16, $0xb8;
	[tilespmem:$0x12E20] =	vst v63  }
0x38: {  	_ =	swait.ge [sflag:s26], $0x1000  }
0x39: {  	[sflag:s26] =	ssyncset.done $0x0  }
0x3a: {  	s1 =	simm.s32 $0x2980;
	[sflag:s26] =	ssyncadd.s32 $0xFFFFF000  }
0x3b: {  	[spmem:s3] =	stream.indirect.scatter.add.f32 [tilespmem:s22], [sflag:$0x8], $0x20, s1, s16, $0xb8;
	[tilespmem:$0x12E20] =	vst v63  }
0x3c: {  	_ =	swait.ge [sflag:s28], $0x1000  }
0x3d: {  	[sflag:s28] =	ssyncset.done $0x0  }
0x3e: {  	s15 =	simm.s32 $0x200;
	[sflag:s28] =	ssyncadd.s32 $0xFFFFF000  }
0x3f: {  	[tilespmem:s17], [sflag:$0x1] =	stream.indirect.gather [spmem:s2], $0x20, s15, s16, $0xb8;
	[tilespmem:$0x12E20] =	vst v63  }
0x40: {  	_ =	swait.ge [sflag:s29], $0x1000  }
0x41: {  	[sflag:s29] =	ssyncset.done $0x0  }
0x42: {  	s1 =	simm.s32 $0x280;
	[sflag:s29] =	ssyncadd.s32 $0xFFFFF000  }
0x43: {  	[tilespmem:s18], [sflag:$0x2] =	stream.indirect.gather [spmem:s2], $0x20, s1, s16, $0xb8;
	[tilespmem:$0x12E20] =	vst v63  }
0x44: {  	_ =	swait.ge [sflag:s30], $0x1000  }
0x45: {  	[sflag:s30] =	ssyncset.done $0x0  }
0x46: {  	s15 =	simm.s32 $0x300;
	[sflag:s30] =	ssyncadd.s32 $0xFFFFF000  }
0x47: {  	[tilespmem:s20], [sflag:$0x3] =	stream.indirect.gather [spmem:s2], $0x20, s15, s16, $0xb8;
	[tilespmem:$0x12E20] =	vst v63  }
0x48: {  	_ =	swait.ge [sflag:s31], $0x1000  }
0x49: {  	[sflag:s31] =	ssyncset.done $0x0  }
0x4a: {  	s0 =	simm.s32 $0x380;
	s1 =	simm.s32 $0x800;
	[sflag:s31] =	ssyncadd.s32 $0xFFFFF000  }
.LBB2_2:
0x4b: {  	[tilespmem:s22], [sflag:$0x4] =	stream.indirect.gather [spmem:s2], $0x20, s0, s16, $0xb8;
	[tilespmem:$0x12E20] =	vst v63  }
0x4c: {  	s0 =	smov.u32 s1  }
0x4d: {  	p0 =	sne.s32 s1, $0x9000;
	s1 =	sadd.s32 $0x800, s1;
	_ =	swait.ge [sflag:s23], $0x1000  }
0x4e: {  	s0 =	sshra.s32 s0, $0x2;
	[sflag:s23] =	ssyncset.done $0x0  }
0x4f: {  	s15 =	sadd.s32 $0x2800, s0;
	[sflag:s23] =	ssyncadd.s32 $0xFFFFF000  }
0x50: {  	[spmem:s3] =	stream.indirect.scatter.add.f32 [tilespmem:s17], [sflag:$0x5], $0x20, s15, s16, $0xb8;
	[tilespmem:$0x12E20] =	vst v63  }
0x51: {  	_ =	swait.ge [sflag:s24], $0x1000  }
0x52: {  	[sflag:s24] =	ssyncset.done $0x0  }
0x53: {  	s15 =	sadd.s32 $0x2880, s0;
	[sflag:s24] =	ssyncadd.s32 $0xFFFFF000  }
0x54: {  	[spmem:s3] =	stream.indirect.scatter.add.f32 [tilespmem:s18], [sflag:$0x6], $0x20, s15, s16, $0xb8;
	[tilespmem:$0x12E20] =	vst v63  }
0x55: {  	_ =	swait.ge [sflag:s25], $0x1000  }
0x56: {  	[sflag:s25] =	ssyncset.done $0x0  }
0x57: {  	s15 =	sadd.s32 $0x2900, s0;
	[sflag:s25] =	ssyncadd.s32 $0xFFFFF000  }
0x58: {  	[spmem:s3] =	stream.indirect.scatter.add.f32 [tilespmem:s20], [sflag:$0x7], $0x20, s15, s16, $0xb8;
	[tilespmem:$0x12E20] =	vst v63  }
0x59: {  	_ =	swait.ge [sflag:s26], $0x1000  }
0x5a: {  	[sflag:s26] =	ssyncset.done $0x0  }
0x5b: {  	s15 =	sadd.s32 $0x2980, s0;
	[sflag:s26] =	ssyncadd.s32 $0xFFFFF000  }
0x5c: {  	[spmem:s3] =	stream.indirect.scatter.add.f32 [tilespmem:s22], [sflag:$0x8], $0x20, s15, s16, $0xb8;
	[tilespmem:$0x12E20] =	vst v63  }
0x5d: {  	_ =	swait.ge [sflag:s28], $0x1000  }
0x5e: {  	[sflag:s28] =	ssyncset.done $0x0  }
0x5f: {  	s15 =	sadd.s32 $0x200, s0;
	[sflag:s28] =	ssyncadd.s32 $0xFFFFF000  }
0x60: {  	[tilespmem:s17], [sflag:$0x1] =	stream.indirect.gather [spmem:s2], $0x20, s15, s16, $0xb8;
	[tilespmem:$0x12E20] =	vst v63  }
0x61: {  	_ =	swait.ge [sflag:s29], $0x1000  }
0x62: {  	[sflag:s29] =	ssyncset.done $0x0  }
0x63: {  	s15 =	sadd.s32 $0x280, s0;
	[sflag:s29] =	ssyncadd.s32 $0xFFFFF000  }
0x64: {  	[tilespmem:s18], [sflag:$0x2] =	stream.indirect.gather [spmem:s2], $0x20, s15, s16, $0xb8;
	[tilespmem:$0x12E20] =	vst v63  }
0x65: {  	_ =	swait.ge [sflag:s30], $0x1000  }
0x66: {  	[sflag:s30] =	ssyncset.done $0x0  }
.Ltmp0:
0x67: {  	s15 =	sadd.s32 $0x300, s0;
	[sflag:s30] =	ssyncadd.s32 $0xFFFFF000;
	(pc) =	sbr.rel @p0 .LBB2_2-.Ltmp0, $4  }
0x68: {  	[tilespmem:s20], [sflag:$0x3] =	stream.indirect.gather [spmem:s2], $0x20, s15, s16, $0xb8;
	[tilespmem:$0x12E20] =	vst v63  }
0x69: {  	_ =	swait.ge [sflag:s31], $0x1000  }
0x6a: {  	[sflag:s31] =	ssyncset.done $0x0  }
0x6b: {  	s0 =	sadd.s32 $0x380, s0;
	[sflag:s31] =	ssyncadd.s32 $0xFFFFF000  }
0x6c: {  	[tilespmem:s22], [sflag:$0x4] =	stream.indirect.gather [spmem:s2], $0x20, s0, s16, $0xb8;
	[tilespmem:$0x12E20] =	vst v63  }
0x6d: {  	_ =	swait.ge [sflag:s23], $0x1000  }
0x6e: {  	[sflag:s23] =	ssyncset.done $0x0  }
0x6f: {  	s15 =	simm.s32 $0x4E00;
	[sflag:s23] =	ssyncadd.s32 $0xFFFFF000  }
0x70: {  	[spmem:s3] =	stream.indirect.scatter.add.f32 [tilespmem:s17], [sflag:$0x5], $0x20, s15, s16, $0xb8;
	[tilespmem:$0x12E20] =	vst v63  }
0x71: {  	_ =	swait.ge [sflag:s24], $0x1000  }
0x72: {  	[sflag:s24] =	ssyncset.done $0x0  }
0x73: {  	s1 =	simm.s32 $0x4E80;
	[sflag:s24] =	ssyncadd.s32 $0xFFFFF000  }
0x74: {  	[spmem:s3] =	stream.indirect.scatter.add.f32 [tilespmem:s18], [sflag:$0x6], $0x20, s1, s16, $0xb8;
	[tilespmem:$0x12E20] =	vst v63  }
0x75: {  	_ =	swait.ge [sflag:s25], $0x1000  }
0x76: {  	[sflag:s25] =	ssyncset.done $0x0  }
0x77: {  	s15 =	simm.s32 $0x4F00;
	[sflag:s25] =	ssyncadd.s32 $0xFFFFF000  }
0x78: {  	[spmem:s3] =	stream.indirect.scatter.add.f32 [tilespmem:s20], [sflag:$0x7], $0x20, s15, s16, $0xb8;
	[tilespmem:$0x12E20] =	vst v63  }
0x79: {  	_ =	swait.ge [sflag:s26], $0x1000  }
0x7a: {  	[sflag:s26] =	ssyncset.done $0x0  }
0x7b: {  	[sflag:s26] =	ssyncadd.s32 $0xFFFFF000  }
0x7c: {  	[spmem:s3] =	stream.indirect.scatter.add.f32 [tilespmem:s22], [sflag:$0x8], $0x20, s19, s16, $0xb8;
	[tilespmem:$0x12E20] =	vst v63  }
0x7d: {  	_ =	swait.ge [sflag:s28], $0x1000  }
0x7e: {  	[sflag:s28] =	ssyncset.done $0x0  }
0x7f: {  	[sflag:s28] =	ssyncadd.s32 $0xFFFFF000  }
0x80: {  	_ =	swait.ge [sflag:s29], $0x1000  }
0x81: {  	[sflag:s29] =	ssyncset.done $0x0  }
0x82: {  	[sflag:s29] =	ssyncadd.s32 $0xFFFFF000  }
0x83: {  	_ =	swait.ge [sflag:s30], $0x1000  }
0x84: {  	[sflag:s30] =	ssyncset.done $0x0  }
0x85: {  	[sflag:s30] =	ssyncadd.s32 $0xFFFFF000  }
0x86: {  	_ =	swait.ge [sflag:s31], $0x1000  }
0x87: {  	s21 =	sadd.s32 $0x1, s21;
	[sflag:s31] =	ssyncset.done $0x0  }
0x88: {  	p0 =	sne.s32 s21, s11;
	[sflag:s31] =	ssyncadd.s32 $0xFFFFF000  }
.Ltmp1:
0x89: {  	[bflag:$0x0] =	sbarrier.arrive $0xFFFF;
	(pc) =	sbr.rel @p0 .LBB2_1-.Ltmp1, $4  }
0x8a: {  	[hbm:s10], [sflag:s6] =	dma.local [spmem:s14], $0xA00  }
0x8b: {  	_ =	swait.ge [sflag:s13], $0xA00  }
0x8c: {  	[sflag:s13] =	ssyncset.done $0x0  }
0x8d: {  	[sflag:s13] =	ssyncadd.s32 $0xFFFFF600  }
0x8e: {  	_ =	sfence.sel $0x180000  }
0x8f: {  	[bflag:$0x0] =	sbarrier.arrive $0xFFFF  }
0x90: {  	_ =	strace $0x9000004D  }
0x91: {  	s0 =	stileid.u32;
	[bflag:$0x2] =	sbarrier.arrive $0xFFFF  }
0x92: {  	p0 =	sne.s32 s0, $0x0;
	s0 =	rddreg [dreg:$0x3]  }
0x93: {  	s0 =	sadd.s32 @!p0 $0x100000, s0  }
0x94: {  	[sflag:s0] =	ssyncadd.tile.s32 @!p0 $0x1;
	_ =	shalt  }
.Lfunc_end2:
_tile_overlayer_lowered:
.L_overlay_start_2:
0x95: {  	(tag) =	ssettag $0x2  }
0x96: {  	s0 =	rddreg [dreg:$0x0];
	s2 =	stileid.u32  }
0x97: {  	s1 =	rddreg [dreg:$0x1];
	p0 =	sne.s32 s2, $0x0  }
0x98: {  	s3 =	rddreg [dreg:$0x2];
	[bflag:$0x3] =	sbarrier.arrive $0xFFFF;
	s2 =	simm.s32 @!p0 $0x1C09  }
0x99: {  	[timem:s3], [sflag:s2] =	dma.local @!p0 [hbm:s0], s1  }
0x9a: {  	s0 =	simm.s32 @!p0 $0x9  }
0x9b: {  	_ =	swait.ge @!p0 [sflag:s0], s1  }
0x9c: {  	s1 =	ssub.s32 @!p0 $0x0, s1;
	[sflag:s0] =	ssyncset.done @!p0 $0x0  }
0x9d: {  	[sflag:s0] =	ssyncadd.s32 @!p0 s1  }
0x9e: {  	[bflag:$0x3] =	sbarrier.arrive $0xFFFF  }
0x9f: {  	_ =	shalt  }

// kernel: kernel.8.cloned.1.call-start
scs
__scs_entry_jumppad:
0x0: {  	(pc) =	sbr.rel $0x88, $3  }
0x1: {  	(tag) =	ssettag $0x0;
	lr =	simm.s32 $0x1  }
0x2: {  	[smem:$0x3F99] =	sst lr;
	_ =	strace $0xD0000000  }
0x3: {  	_ = 	snop  }
0x4: {  	_ = 	snop  }
0x5: {  	_ = 	snop  }
0x6: {  	_ = 	snop  }
0x7: {  	_ = 	snop  }
__scs_overlays_trampoline_lowered:
0x8: {  	[smem:$0x3FA8] =	sst s0  }
0x9: {  	[smem:$0x3FA9] =	sst s1  }
0xa: {  	[smem:$0x3FAA] =	sst s2  }
0xb: {  	[smem:$0x3FAB] =	sst s3  }
0xc: {  	[smem:$0x3FAC] =	sst s4  }
0xd: {  	[smem:$0x3FAD] =	sst s5  }
0xe: {  	[smem:$0x3FAE] =	sst s6  }
0xf: {  	[smem:$0x3FAF] =	sst s7  }
0x10: {  	[smem:$0x3FB0] =	sst s8  }
0x11: {  	[smem:$0x3FB1] =	sst s9;
	s0 =	simm.s32 @!p0 $0x0  }
0x12: {  	s1 =	sld [smem:$0x3F97];
	s0 =	simm.s32 @p0 $0x1  }
0x13: {  	[smem:$0x3FB2] =	sst s0;
	s0 =	simm.s32 @!p1 $0x0  }
0x14: {  	s2 =	sld [smem:$0x3F96];
	s0 =	simm.s32 @p1 $0x1  }
0x15: {  	[smem:$0x3FB3] =	sst s0;
	s0 =	simm.s32 @!p2 $0x0  }
0x16: {  	s3 =	sld [smem:$0x3FDB];
	s0 =	simm.s32 @p2 $0x1  }
0x17: {  	s4 =	simm.s32 $0x1BF5;
	[smem:$0x3FB5] =	sst s0  }
0x18: {  	s0 =	sld [smem:$0x3F98];
	_ =	swait.ge [sflag:s4], $0x0  }
0x19: {  	s7 =	sld [smem:$0x3F99]  }
0x1a: {  	s8 =	sadd.s32 $0xFFFFE003, lr  }
0x1b: {  	s9 =	sadd.s32 $0xFFFFFEF7, lr;
	s5 =	simm.s32 $0xFFFFFFFF;
	p2 =	slt.u32 s8, $0xFFFFF086  }
0x1c: {  	p1 =	slt.u32 s9, $0xF7A;
	s5 =	simm.s32 @!p2 $0x0  }
0x1d: {  	s5 =	simm.s32 @p1 $0x1;
	p0 =	seq.s32 s7, s2  }
0x1e: {  	s7 =	smul.u32 @!p0 $0xF7A, s2;
	p2 =	seq.s32 @!p0 s5, $0x0  }
0x1f: {  	s9 =	smul.u32 $0xF7A, s1;
	s8 =	simm.s32 @!p0 $0x1BF5;
	p2 =	por !p2, p0  }
0x20: {  	[sflag:s8] =	ssyncset.s32 @!p0 $0xFFFFF086;
	s6 =	sadd.s32 @!p0 s3, s7;
	s7 =	simm.s32 @!p0 $0x108  }
0x21: {  	s3 =	sadd.s32 s3, s9;
	s6 =	sadd.s32 @!p0 $0x88, s6;
	s7 =	simm.s32 @p2 $0x1082  }
0x22: {  	[simem:s7], [sflag:s8] =	dma.local @!p0 [hbm:s6], $0xF7A  }
0x23: {  	s9 =	sor.u32 $0xD0000000, s2;
	s6 =	simm.s32 $0x108;
	_ =	swait.ge @!p0 [sflag:s8], $0x0  }
0x24: {  	s3 =	sadd.s32 $0x88, s3;
	s6 =	simm.s32 @!p1 $0x1082;
	[sflag:s4] =	ssyncset.s32 $0xFFFFF086  }
0x25: {  	[simem:s6], [sflag:s4] =	dma.local [hbm:s3], $0xF7A  }
0x26: {  	[smem:$0x3F99] =	sst s1;
	(tag) =	ssettag s2;
	_ =	strace s9  }
0x27: {  	s1 =	sld [smem:$0x3FA9]  }
0x28: {  	s2 =	sld [smem:$0x3FAA]  }
0x29: {  	s4 =	sld [smem:$0x3FAC]  }
0x2a: {  	p0 =	seq.s32 s5, $0x0;
	s5 =	sld [smem:$0x3FAD]  }
0x2b: {  	s6 =	sld [smem:$0x3FAE]  }
0x2c: {  	s7 =	sld [smem:$0x3FAF]  }
0x2d: {  	s3 =	simm.s32 $0x108;
	s8 =	sld [smem:$0x3FB0]  }
0x2e: {  	s3 =	simm.s32 @!p0 $0x1082;
	s9 =	sld [smem:$0x3FB1]  }
0x2f: {  	lr =	sadd.s32 s0, s3;
	s0 =	sld [smem:$0x3FA8]  }
0x30: {  	s3 =	sld [smem:$0x3FAB]  }
0x31: {  	[smem:$0x3FB4] =	sst s10  }
0x32: {  	s10 =	sld [smem:$0x3FB2];
	_ =	sdelay $0x3  }
0x33: {  	p0 =	seq.s32 s10, $0x1;
	s10 =	sld [smem:$0x3FB4];
	_ =	sdelay $0x3  }
0x34: {  	[smem:$0x3FB4] =	sst s10  }
0x35: {  	s10 =	sld [smem:$0x3FB3];
	_ =	sdelay $0x3  }
0x36: {  	p1 =	seq.s32 s10, $0x1;
	s10 =	sld [smem:$0x3FB4];
	_ =	sdelay $0x3  }
0x37: {  	[smem:$0x3FB4] =	sst s10  }
0x38: {  	s10 =	sld [smem:$0x3FB5]  }
0x39: {  	_ = 	snop;
	(pc) =	sbr.ind lr, $3  }
0x3a: {  	_ = 	snop  }
0x3b: {  	_ = 	snop  }
0x3c: {  	p2 =	seq.s32 s10, $0x1;
	s10 =	sld [smem:$0x3FB4]  }
0x3d: {  	_ =	shalt  }
0x3e: {  	_ =	shalt  }
0x3f: {  	_ =	shalt  }
0x40: {  	_ =	shalt  }
0x41: {  	_ =	shalt  }
0x42: {  	_ =	shalt  }
0x43: {  	_ =	shalt  }
0x44: {  	_ =	shalt  }
0x45: {  	_ =	shalt  }
0x46: {  	_ =	shalt  }
0x47: {  	_ =	shalt  }
0x48: {  	_ =	shalt  }
0x49: {  	_ =	shalt  }
0x4a: {  	_ =	shalt  }
0x4b: {  	_ =	shalt  }
0x4c: {  	_ =	shalt  }
0x4d: {  	_ =	shalt  }
0x4e: {  	_ =	shalt  }
0x4f: {  	_ =	shalt  }
0x50: {  	_ =	shalt  }
0x51: {  	_ =	shalt  }
0x52: {  	_ =	shalt  }
0x53: {  	_ =	shalt  }
0x54: {  	_ =	shalt  }
0x55: {  	_ =	shalt  }
0x56: {  	_ =	shalt  }
0x57: {  	_ =	shalt  }
0x58: {  	_ =	shalt  }
0x59: {  	_ =	shalt  }
0x5a: {  	_ =	shalt  }
0x5b: {  	_ =	shalt  }
0x5c: {  	_ =	shalt  }
0x5d: {  	_ =	shalt  }
0x5e: {  	_ =	shalt  }
0x5f: {  	_ =	shalt  }
0x60: {  	_ =	shalt  }
0x61: {  	_ =	shalt  }
0x62: {  	_ =	shalt  }
0x63: {  	_ =	shalt  }
0x64: {  	_ =	shalt  }
0x65: {  	_ =	shalt  }
0x66: {  	_ =	shalt  }
0x67: {  	_ =	shalt  }
0x68: {  	_ =	shalt  }
0x69: {  	_ =	shalt  }
0x6a: {  	_ =	shalt  }
0x6b: {  	_ =	shalt  }
0x6c: {  	_ =	shalt  }
0x6d: {  	_ =	shalt  }
0x6e: {  	_ =	shalt  }
0x6f: {  	_ =	shalt  }
0x70: {  	_ =	shalt  }
0x71: {  	_ =	shalt  }
0x72: {  	_ =	shalt  }
0x73: {  	_ =	shalt  }
0x74: {  	_ =	shalt  }
0x75: {  	_ =	shalt  }
0x76: {  	_ =	shalt  }
0x77: {  	_ =	shalt  }
0x78: {  	_ =	shalt  }
0x79: {  	_ =	shalt  }
0x7a: {  	_ =	shalt  }
0x7b: {  	_ =	shalt  }
0x7c: {  	_ =	shalt  }
0x7d: {  	_ =	shalt  }
0x7e: {  	_ =	shalt  }
0x7f: {  	_ =	shalt  }
0x80: {  	_ =	shalt  }
0x81: {  	_ =	shalt  }
0x82: {  	_ =	shalt  }
0x83: {  	_ =	shalt  }
0x84: {  	_ =	shalt  }
0x85: {  	_ =	shalt  }
0x86: {  	_ =	shalt  }
0x87: {  	_ =	shalt  }
.Lfunc_end0:
.L_simem_size_0:
called_computation_lowered:
.L_overlay_start_0:
0x88: {  	s2 =	sld [smem:$0x3FD9]  }
0x89: {  	s3 =	sld [smem:$0x3FFE];
	_ =	sdelay $0x1  }
0x8a: {  	s1 =	srdreg.scid  }
0x8b: {  	s0 =	sand.u32 $0x1, s1  }
0x8c: {  	s14 =	sshll.u32 s0, $0xA;
	s2 =	sadd.s32 s3, s2  }
0x8d: {  	s2 =	sadd.s32 s2, s14  }
0x8e: {  	[smem:$0x3FC0] =	sst s2  }
0x8f: {  	_ = 	snop  }
0x90: {  	s2 =	sld [smem:$0x3FD0];
	_ =	sdelay $0x2  }
0x91: {  	s15 =	simm.s32 $0xA;
	s4 =	simm.s32 $0x10  }
0x92: {  	[smem:s4], [sflag:s15] =	dma.local [hbm:s2], $0x1  }
0x93: {  	_ =	swait.eq [sflag:s15], $0x1  }
0x94: {  	[sflag:s15] =	ssyncset.done $0x0  }
0x95: {  	s16 =	sld [smem:$0x10];
	[sflag:s15] =	ssyncadd.s32 $0xFFFFFFFF  }
0x96: {  	s17 =	sld [smem:$0x11];
	(tm) =	ssettm $0x1  }
0x97: {  	s18 =	sld [smem:$0x3FFB];
	_ =	sdelay $0x3  }
0x98: {  	_ =	strace s18  }
0x99: {  	s4 =	sld [smem:$0x3FFC];
	_ =	sdelay $0x3  }
0x9a: {  	_ =	strace s4  }
0x9b: {  	s4 =	sld [smem:$0x3FFD];
	_ =	sdelay $0x3  }
0x9c: {  	_ =	strace s4  }
0x9d: {  	_ =	strace $0x8FFFFFFF  }
0x9e: {  	s19 =	sld [smem:$0x3FDB];
	_ =	sdelay $0x1  }
0x9f: {  	s5 =	simm.s32 $_scs_section_size  }
0xa0: {  	s6 =	simm.s32 $_size__tile_overlayer_lowered;
	s7 =	simm.s32 $_tile_overlayer_lowered  }
0xa1: {  	s22 =	simm.s32 $0x1BFF;
	s21 =	sshll.u32 s7, $0x1;
	s4 =	sadd.s32 s5, s19  }
0xa2: {  	s8 =	simm.s32 $0x0;
	s20 =	sshll.u32 s6, $0x1;
	s6 =	sadd.s32 s21, s4  }
0xa3: {  	[timem:s8], [sflag:s22] =	dma.local [hbm:s6], s20  }
0xa4: {  	_ =	swait.ge [sflag:s22], s20  }
0xa5: {  	s5 =	ssub.s32 $0x0, s20;
	[sflag:s22] =	ssyncset.done $0x0  }
0xa6: {  	[sflag:s22] =	ssyncadd.s32 s5;
	_ =	sdelay $0x1  }
0xa7: {  	s23 =	simm.s32 $0x1B8B  }
0xa8: {  	_ =	swait.ge [sflag:s23], $0x1  }
0xa9: {  	[sflag:s23] =	ssyncset.done $0x0  }
0xaa: {  	s25 =	simm.s32 $0x1B8E;
	s24 =	sld [smem:$0x3FFE];
	[sflag:s23] =	ssyncadd.s32 $0xFFFFFFFF  }
0xab: {  	s26 =	simm.s32 $execute0_lowered;
	[smem:$0x3FD2] =	sst s25  }
0xac: {  	s6 =	sshll.u32 s26, $0x1;
	_ =	strace $0x80000046;
	[dreg:$0x1] =	wrdreg $0xFFFFFFFF  }
0xad: {  	s28 =	simm.s32 $_size_execute0_lowered;
	s4 =	sadd.s32 s4, s6;
	[dreg:$0x0] =	wrdreg $0x0  }
0xae: {  	s6 =	sshll.u32 s28, $0x1;
	[dreg:$0x2] =	wrdreg s4  }
0xaf: {  	[dreg:$0x3] =	wrdreg s6  }
0xb0: {  	[dreg:$0x4] =	wrdreg $0xC0  }
0xb1: {  	_ =	task [dreg:s8], $0x5FFFF  }
0xb2: {  	[dreg:$0x1] =	wrdreg $0xFFFFFFFF  }
0xb3: {  	[dreg:$0x0] =	wrdreg $0x60  }
0xb4: {  	[dreg:$0x2] =	wrdreg s24  }
0xb5: {  	[dreg:$0x3] =	wrdreg s16  }
0xb6: {  	[dreg:$0x4] =	wrdreg s17  }
0xb7: {  	[dreg:$0x5] =	wrdreg $0x28800  }
0xb8: {  	[dreg:$0x6] =	wrdreg $0x9  }
0xb9: {  	_ =	task.clear_ibuf [dreg:s8], $0x7FFFF;
	_ =	strace $0x90000046  }
0xba: {  	s29 =	simm.s32 $0x9;
	_ =	strace $0x80000048  }
0xbb: {  	_ =	swait.ge [sflag:s29], $0x1  }
0xbc: {  	[sflag:s29] =	ssyncadd.s32 $0xFFFFFFFF  }
0xbd: {  	_ =	strace $0x90000048  }
0xbe: {  	_ =	sfence  }
0xbf: {  	s30 =	sld [smem:$0x0];
	_ =	sdelay $0x2  }
0xc0: {  	s31 =	sshll.u32 s1, $0xD;
	s1 =	sshrl.u32 s1, $0x2  }
0xc1: {  	s3 =	sand.u32 $0x4000, s31;
	s1 =	sadd.s32 s1, s30  }
0xc2: {  	s0 =	sor.u32 s3, s0;
	s1 =	sshll.u32 s1, $0x11  }
0xc3: {  	s0 =	sor.u32 s1, s0  }
0xc4: {  	s0 =	sadd.s32 $0x8F2B, s0  }
0xc5: {  	[sflag:s0] =	ssyncadd.remote.s32 $0x1  }
0xc6: {  	_ =	sfence.sel $0xFFFF  }
0xc7: {  	[dreg:$0x0] =	wrdreg $0xFFFFFFFF;
	(pc) =	sbr.abs _section_cstart, $3  }
0xc8: {  	[dreg:$0x1] =	wrdreg $0xFFFFFFFF  }
0xc9: {  	_ =	task.clear_ibuf [dreg:s8], $0x2FFFF;
	_ =	strace $0x9FFFFFFF  }
0xca: {  	(tm) =	ssettm $0x7FFFFFFF  }
0xcb: {  	_ =	shalt  }
tec
execute0_lowered:
.L_overlay_start_1:
0x0: {  	(tag) =	ssettag $0x1  }
0x1: {  	s4 =	rddreg [dreg:$0x0]  }
0x2: {  	s5 =	rddreg [dreg:$0x1];
	s1 =	srdreg.scid  }
0x3: {  	s0 =	stileid.u32;
	s7 =	rddreg [dreg:$0x2]  }
0x4: {  	s2 =	rddreg [dreg:$0x3];
	s12 =	simm.s32 $0x2800;
	s13 =	simm.s32 $0x0  }
0x5: {  	s6 =	sand.u32 $0x1, s1;
	s28 =	sshll.u32 s0, $0x1;
	s10 =	smul.u32 $0x280, s0  }
0x6: {  	s3 =	sor.u32 s6, s28;
	s9 =	ssub.s32 $0x2, s6;
	s6 =	smul.u32 $0x2800, s6  }
0x7: {  	s1 =	rddreg [dreg:$0x4];
	s31 =	sshll.u32 s0, $0x6;
	s8 =	smul.u32 $0x500, s3  }
0x8: {  	s3 =	simm.s32 $0x0;
	s11 =	sshrl.u32 s9, $0x1;
	s29 =	sadd.s32 s10, s2  }
0x9: {  	s30 =	sshrl.u32 s10, $0x3;
	[smem:$0x7FF] =	sst s3;
	s9 =	ssub.s32 s9, s11  }
0xa: {  	s6 =	sadd.s32 s10, s6;
	s11 =	simm.s32 $0x80;
	_ =	strace $0x80000047  }
0xb: {  	s8 =	sadd.s32 s8, s4;
	s4 =	sadd.s32 s5, s30;
	s10 =	sshrl.u32 s6, $0x3  }
0xc: {  	s5 =	sor.u32 $0x1C01, s31;
	s6 =	sadd.s32 $0x2000, s8;
	s7 =	sadd.s32 s7, s10  }
0xd: {  	v0 =	vimm.f32 $1.000000000e+00;
	s8 =	smax.u32 s9, $0x1;
	s9 =	sshrl.u32 s29, $0x3;
	s10 =	simm.s32 $0x1  }
.LBB2_1:
0xe: {  	[spmem:s9], [sflag:s5] =	dma.local [hbm:s4], $0x50  }
0xf: {  	_ =	swait.ge [sflag:s10], $0x50  }
0x10: {  	[sflag:s10] =	ssyncset.done $0x0  }
0x11: {  	[sflag:s10] =	ssyncadd.s32 $0xFFFFFFB0  }
0x12: {  	[tilespmem:s3], [sflag:$0x1] =	stream.linear.gather [hbm4b:s6+s3], $0x2800, $0x38;
	[tilespmem:$0x2B00] =	vst v63  }
0x13: {  	_ =	swait.ge [sflag:s10], $0x2800  }
0x14: {  	[sflag:s10] =	ssyncset.done $0x0  }
0x15: {  	[sflag:s10] =	ssyncadd.s32 $0xFFFFD800  }
0x16: {  	[tilespmem:$0x2800] =	vst v0  }
0x17: {  	[tilespmem:$0x2810] =	vst v0  }
0x18: {  	[tilespmem:$0x2820] =	vst v0  }
0x19: {  	[tilespmem:$0x2830] =	vst v0  }
0x1a: {  	[tilespmem:$0x2840] =	vst v0  }
0x1b: {  	[tilespmem:$0x2850] =	vst v0  }
0x1c: {  	[tilespmem:$0x2860] =	vst v0  }
0x1d: {  	[tilespmem:$0x2870] =	vst v0  }
0x1e: {  	s14 =	simm.s32 $0x0;
	[bflag:$0x0] =	sbarrier.arrive $0xFFFF  }
0x1f: {  	[spmem:s2] =	stream.indirect.scatter.add.f32 [tilespmem:s12], [sflag:$0x1], $0x1, s14, s11, $0xb8;
	[tilespmem:$0x2B00] =	vst v63  }
0x20: {  	_ =	swait.ge [sflag:s10], $0x80  }
0x21: {  	s14 =	simm.s32 $0x200;
	[sflag:s10] =	ssyncset.done $0x0  }
.LBB2_2:
0x22: {  	s15 =	sshra.s32 s14, $0x2;
	[sflag:s10] =	ssyncadd.s32 $0xFFFFFF80;
	p0 =	sne.s32 s14, $0x9E00  }
0x23: {  	[spmem:s2] =	stream.indirect.scatter.add.f32 [tilespmem:s12], [sflag:$0x1], $0x1, s15, s11, $0xb8;
	[tilespmem:$0x2B00] =	vst v63  }
.Ltmp0:
0x24: {  	_ = 	snop;
	(pc) =	sbr.rel @p0 .LBB2_2-.Ltmp0, $4  }
0x25: {  	_ = 	snop  }
0x26: {  	s14 =	sadd.s32 $0x200, s14  }
0x27: {  	_ =	swait.ge [sflag:s10], $0x80  }
0x28: {  	[sflag:s10] =	ssyncset.done $0x0  }
0x29: {  	s13 =	sadd.s32 $0x1, s13  }
0x2a: {  	[sflag:s10] =	ssyncadd.s32 $0xFFFFFF80;
	p0 =	sne.s32 s13, s8  }
.Ltmp1:
0x2b: {  	[bflag:$0x0] =	sbarrier.arrive $0xFFFF;
	(pc) =	sbr.rel @p0 .LBB2_1-.Ltmp1, $4  }
0x2c: {  	[hbm:s7], [sflag:s5] =	dma.local [spmem:s9], $0x50  }
0x2d: {  	_ =	swait.ge [sflag:s10], $0x50  }
0x2e: {  	[sflag:s10] =	ssyncset.done $0x0  }
0x2f: {  	[sflag:s10] =	ssyncadd.s32 $0xFFFFFFB0  }
0x30: {  	_ =	sfence.sel $0x180000  }
0x31: {  	[bflag:$0x0] =	sbarrier.arrive $0xFFFF  }
0x32: {  	p0 =	sne.s32 s0, $0x0;
	_ =	strace $0x90000047  }
0x33: {  	s0 =	sadd.s32 @!p0 $0x100000, s1;
	[bflag:$0x2] =	sbarrier.arrive $0xFFFF  }
0x34: {  	[sflag:s0] =	ssyncadd.tile.s32 @!p0 $0x1;
	_ =	shalt  }
.Lfunc_end2:
_tile_overlayer_lowered:
.L_overlay_start_2:
0x35: {  	(tag) =	ssettag $0x2  }
0x36: {  	s0 =	rddreg [dreg:$0x0];
	s2 =	stileid.u32  }
0x37: {  	s1 =	rddreg [dreg:$0x1];
	p0 =	sne.s32 s2, $0x0  }
0x38: {  	s3 =	rddreg [dreg:$0x2];
	[bflag:$0x3] =	sbarrier.arrive $0xFFFF;
	s2 =	simm.s32 @!p0 $0x1C01  }
0x39: {  	[timem:s3], [sflag:s2] =	dma.local @!p0 [hbm:s0], s1  }
0x3a: {  	s0 =	simm.s32 @!p0 $0x1  }
0x3b: {  	_ =	swait.ge @!p0 [sflag:s0], s1  }
0x3c: {  	s1 =	ssub.s32 @!p0 $0x0, s1;
	[sflag:s0] =	ssyncset.done @!p0 $0x0  }
0x3d: {  	[sflag:s0] =	ssyncadd.s32 @!p0 s1  }
0x3e: {  	[bflag:$0x3] =	sbarrier.arrive $0xFFFF  }
0x3f: {  	_ =	shalt  }

</sc_bundles>
